<compile_context>
chip_gen: v7x
topology: tpu7x:2x2x1
jax: 0.10.2.dev20260603
libtpu: 0.0.44.dev20260713+nightly
codegen_flags: <defaults>
</compile_context>

<pallas_src>
import functools

import jax
import jax.numpy as jnp
from jax import lax
from jax.experimental import pallas as pl
from jax.experimental.pallas import tpu as pltpu
from jax.experimental.pallas import tpu_sc as plsc

_B = 8
_TOTAL = 8192
_D = 1024
_WORDS = _TOTAL * _D
_NC = 2
_NS = 16
_NW = _NC * _NS
_WORDS_PER_W = _WORDS // _NW
_NCHUNK = 8
_CHUNK = _WORDS_PER_W // _NCHUNK
_UNROLL = 8
_VECS_PER_ITER = _UNROLL * 16
_INNER_ITERS = _CHUNK // _VECS_PER_ITER


def _sc_body(flat_hbm, out_hbm,
             buf0, buf1, accbuf, partbuf, outbuf, shared,
             sem0, sem1):
    c = lax.axis_index("c")
    s = lax.axis_index("s")
    base = c * (_NS * _WORDS_PER_W) + s * _WORDS_PER_W

    bufs = (buf0, buf1)
    sems = (sem0, sem1)

    copies = [None] * _NCHUNK
    copies[0] = pltpu.async_copy(
        flat_hbm.at[pl.ds(base, _CHUNK)], bufs[0], sems[0])

    accs = tuple(jnp.zeros((16,), jnp.float32) for _ in range(_UNROLL))

    for chunk in range(_NCHUNK):
        if chunk + 1 < _NCHUNK:
            nb = (chunk + 1) % 2
            copies[chunk + 1] = pltpu.async_copy(
                flat_hbm.at[pl.ds(base + (chunk + 1) * _CHUNK, _CHUNK)],
                bufs[nb], sems[nb])
        copies[chunk].wait()
        buf = bufs[chunk % 2]

        def body(i, accs):
            off = i * _VECS_PER_ITER
            return tuple(
                accs[u] + buf[pl.ds(off + u * 16, 16)]
                for u in range(_UNROLL))

        accs = plsc.parallel_loop(0, _INNER_ITERS, 1, unroll=4,
                                  carry=accs)(body)

    acc = accs[0]
    for u in range(1, _UNROLL):
        acc = acc + accs[u]

    accbuf[...] = acc
    pltpu.sync_copy(accbuf, shared.at[pl.ds(s * 16, 16)])
    plsc.subcore_barrier()

    @pl.when(s == 0)
    def _():
        pltpu.sync_copy(shared, partbuf)
        lanes = lax.iota(jnp.int32, 16)
        outvec = jnp.zeros((16,), jnp.float32)
        for g in range(4):
            rs = (partbuf[pl.ds((4 * g) * 16, 16)]
                  + partbuf[pl.ds((4 * g + 1) * 16, 16)]
                  + partbuf[pl.ds((4 * g + 2) * 16, 16)]
                  + partbuf[pl.ds((4 * g + 3) * 16, 16)])
            for sh in (8, 4, 2, 1):
                rs = rs + rs.at[lanes ^ sh].get(mode="promise_in_bounds")
            outvec = jnp.where(lanes == g, rs, outvec)
        outbuf[...] = outvec * jnp.float32(1.0 / (_D * (_TOTAL // _B)))
        pltpu.sync_copy(outbuf, out_hbm.at[c])


@jax.jit
def _sc_means(flat1d):
    mesh = plsc.VectorSubcoreMesh(core_axis_name="c", subcore_axis_name="s")
    call = pl.kernel(
        _sc_body,
        out_type=jax.ShapeDtypeStruct((_NC, 16), jnp.float32),
        mesh=mesh,
        scratch_types=[
            pltpu.VMEM((_CHUNK,), jnp.float32),
            pltpu.VMEM((_CHUNK,), jnp.float32),
            pltpu.VMEM((16,), jnp.float32),
            pltpu.VMEM((_NS * 16,), jnp.float32),
            pltpu.VMEM((16,), jnp.float32),
            pltpu.VMEM_SHARED((_NS * 16,), jnp.float32),
            pltpu.SemaphoreType.DMA,
            pltpu.SemaphoreType.DMA,
        ],
    )
    return call(flat1d)


def kernel(flat, sample_length):
    del sample_length
    out = _sc_means(flat.reshape(-1))
    return jnp.concatenate([out[0, : _B // _NC], out[1, : _B // _NC]])

# --- scband reference (transcript-rebuilt; emitter-appended) ---
"""Pipeline reference for scband-patch-torch-trainer-82884278878895 (READ-ONLY COPY).

The authoritative reference and input builder live on the scoring server;
editing this copy changes nothing except your own understanding.
"""

import jax, jax.numpy as jnp
import numpy as np

B = 8
TOTAL = 8192
D = 1024

def setup_inputs(seed: int = 0) -> dict:
    key = jax.random.key(seed)
    k1, _ = jax.random.split(key)
    flat = jax.random.normal(k1, (TOTAL, D), dtype=jnp.float32)
    # equal-length ragged split: each sequence has TOTAL//B tokens
    sample_length = jnp.full((B,), TOTAL // B, dtype=jnp.int32)
    return {"flat": flat, "sample_length": sample_length}

def reference(flat, sample_length):
    # PatchTorchTrainer._aggragate_fn: split flat by lengths along dim 0,
    # take mean over ALL elements of each split (aggragte = x.mean()),
    # then stack -> shape [B]
    lengths = sample_length.astype(jnp.int32)
    # segment ids: repeat arange(B) by lengths
    ends = jnp.cumsum(lengths)
    starts = ends - lengths
    token_pos = jnp.arange(flat.shape[0])
    # segment id for each token = number of 'starts' <= pos minus 1
    segment_ids = jnp.searchsorted(ends, token_pos, side='right')
    # sum over tokens and feature dim per segment
    per_token_sum = jnp.sum(flat, axis=1)  # [TOTAL]
    seg_sum = jax.ops.segment_sum(per_token_sum, segment_ids, num_segments=B)
    denom = lengths.astype(jnp.float32) * flat.shape[1]
    y_pred = seg_sum / denom
    return y_pred

if __name__ == "__main__":
    import jax
    _d = setup_inputs()
    print(jax.jit(kernel)(*tuple(_d.values())))

</pallas_src>

<mosaic_0001>
#map = affine_map<(d0, d1) -> (0)>
#map1 = affine_map<(d0, d1) -> (0, 0)>
module attributes {stable_mosaic.version = 14 : i64} {
  func.func @_sc_body(%arg0: i32, %arg1: i32, %arg2: memref<8388608xf32, #tpu.memory_space<hbm>>, %arg3: memref<2x16xf32, #tpu.memory_space<hbm>>, %arg4: memref<32768xf32, #tpu.memory_space<vmem>>, %arg5: memref<32768xf32, #tpu.memory_space<vmem>>, %arg6: memref<16xf32, #tpu.memory_space<vmem>>, %arg7: memref<256xf32, #tpu.memory_space<vmem>>, %arg8: memref<16xf32, #tpu.memory_space<vmem>>, %arg9: memref<256xf32, #tpu.memory_space<vmem_shared>>, %arg10: memref<!tpu.dma_semaphore, #tpu.memory_space<semaphore_mem>>, %arg11: memref<!tpu.dma_semaphore, #tpu.memory_space<semaphore_mem>>) attributes {dimension_semantics = [#tpu.dimension_semantics<core_parallel>, #tpu.dimension_semantics<subcore_parallel>], iteration_bounds = array<i64: 2, 16>, scalar_prefetch = 0 : i64, scratch_operands = 8 : i64, tpu.core_type = #tpu.core_type<sc_vector_subcore>, window_params = [{transform_indices = #map}, {transform_indices = #map1}]} {
    %mul3A = arith.constant 4194304 : i32
    %mul3A_0 = arith.muli %arg0, %mul3A : i32
    %mul3A_1 = arith.constant 262144 : i32
    %mul3A_2 = arith.muli %arg1, %mul3A_1 : i32
    %add3A = arith.addi %mul3A_0, %mul3A_2 : i32
    %dma_start3A = tpu.memref_slice %arg2[%add3A] : memref<8388608xf32, #tpu.memory_space<hbm>> -> memref<32768xf32, #tpu.memory_space<hbm>>
    %dma_start3A_3 = tpu.memref_slice %arg2[%add3A] : memref<8388608xf32, #tpu.memory_space<hbm>> -> memref<32768xf32, #tpu.memory_space<hbm>>
    tpu.enqueue_dma source(%dma_start3A_3 : memref<32768xf32, #tpu.memory_space<hbm>>) target(%arg4 : memref<32768xf32, #tpu.memory_space<vmem>>) target_semaphore(%arg10 : memref<!tpu.dma_semaphore, #tpu.memory_space<semaphore_mem>>)
    %broadcast_in_dim3A = arith.constant 0.000000e+00 : f32
    %broadcast_in_dim3A_4 = vector.broadcast %broadcast_in_dim3A : f32 to vector<16xf32>
    %broadcast_in_dim3A_5 = arith.constant 0.000000e+00 : f32
    %broadcast_in_dim3A_6 = vector.broadcast %broadcast_in_dim3A_5 : f32 to vector<16xf32>
    %broadcast_in_dim3A_7 = arith.constant 0.000000e+00 : f32
    %broadcast_in_dim3A_8 = vector.broadcast %broadcast_in_dim3A_7 : f32 to vector<16xf32>
    %broadcast_in_dim3A_9 = arith.constant 0.000000e+00 : f32
    %broadcast_in_dim3A_10 = vector.broadcast %broadcast_in_dim3A_9 : f32 to vector<16xf32>
    %broadcast_in_dim3A_11 = arith.constant 0.000000e+00 : f32
    %broadcast_in_dim3A_12 = vector.broadcast %broadcast_in_dim3A_11 : f32 to vector<16xf32>
    %broadcast_in_dim3A_13 = arith.constant 0.000000e+00 : f32
    %broadcast_in_dim3A_14 = vector.broadcast %broadcast_in_dim3A_13 : f32 to vector<16xf32>
    %broadcast_in_dim3A_15 = arith.constant 0.000000e+00 : f32
    %broadcast_in_dim3A_16 = vector.broadcast %broadcast_in_dim3A_15 : f32 to vector<16xf32>
    %broadcast_in_dim3A_17 = arith.constant 0.000000e+00 : f32
    %broadcast_in_dim3A_18 = vector.broadcast %broadcast_in_dim3A_17 : f32 to vector<16xf32>
    %add3A_19 = arith.constant 32768 : i32
    %add3A_20 = arith.addi %add3A, %add3A_19 : i32
    %dma_start3A_21 = tpu.memref_slice %arg2[%add3A_20] : memref<8388608xf32, #tpu.memory_space<hbm>> -> memref<32768xf32, #tpu.memory_space<hbm>>
    %dma_start3A_22 = tpu.memref_slice %arg2[%add3A_20] : memref<8388608xf32, #tpu.memory_space<hbm>> -> memref<32768xf32, #tpu.memory_space<hbm>>
    tpu.enqueue_dma source(%dma_start3A_22 : memref<32768xf32, #tpu.memory_space<hbm>>) target(%arg5 : memref<32768xf32, #tpu.memory_space<vmem>>) target_semaphore(%arg11 : memref<!tpu.dma_semaphore, #tpu.memory_space<semaphore_mem>>)
    %dma_wait3A = tpu.memref_slice %arg2[%add3A] : memref<8388608xf32, #tpu.memory_space<hbm>> -> memref<32768xf32, #tpu.memory_space<hbm>>
    %dma_wait3A_23 = tpu.memref_slice %arg2[%add3A] : memref<8388608xf32, #tpu.memory_space<hbm>> -> memref<32768xf32, #tpu.memory_space<hbm>>
    tpu.wait_dma2 semaphore(%arg10 : memref<!tpu.dma_semaphore, #tpu.memory_space<semaphore_mem>>) src(%dma_wait3A_23 : memref<32768xf32, #tpu.memory_space<hbm>>) dst(%arg4 : memref<32768xf32, #tpu.memory_space<vmem>>)
    %parallel_loop3A = arith.constant 0 : i32
    %parallel_loop3A_24 = arith.constant 256 : i32
    %parallel_loop3A_25 = arith.constant 1 : i32
    %parallel_loop3A_26:8 = scf.for %parallel_loop3A_107 = %parallel_loop3A to %parallel_loop3A_24 step %parallel_loop3A_25 iter_args(%parallel_loop3A_108 = %broadcast_in_dim3A_4, %parallel_loop3A_109 = %broadcast_in_dim3A_6, %parallel_loop3A_110 = %broadcast_in_dim3A_8, %parallel_loop3A_111 = %broadcast_in_dim3A_10, %parallel_loop3A_112 = %broadcast_in_dim3A_12, %parallel_loop3A_113 = %broadcast_in_dim3A_14, %parallel_loop3A_114 = %broadcast_in_dim3A_16, %parallel_loop3A_115 = %broadcast_in_dim3A_18) -> (vector<16xf32>, vector<16xf32>, vector<16xf32>, vector<16xf32>, vector<16xf32>, vector<16xf32>, vector<16xf32>, vector<16xf32>)  : i32 {
      %parallel_loop3A_116 = arith.constant 128 : i32
      %parallel_loop3A_117 = arith.muli %parallel_loop3A_107, %parallel_loop3A_116 : i32
      %parallel_loop3A_118 = arith.constant 0 : i32
      %parallel_loop3A_119 = arith.addi %parallel_loop3A_117, %parallel_loop3A_118 : i32
      %parallel_loop3A_120 = arith.index_cast %parallel_loop3A_119 : i32 to index
      %parallel_loop3A_121 = tpu.vector_load %arg4[%parallel_loop3A_120] {strides = array<i32>} : memref<32768xf32, #tpu.memory_space<vmem>>, vector<16xf32>,
      %parallel_loop3A_122 = vector.shape_cast %parallel_loop3A_121 : vector<16xf32> to vector<16xf32>
      %parallel_loop3A_123 = arith.addf %parallel_loop3A_108, %parallel_loop3A_122 : vector<16xf32>
      %parallel_loop3A_124 = arith.constant 16 : i32
      %parallel_loop3A_125 = arith.addi %parallel_loop3A_117, %parallel_loop3A_124 : i32
      %parallel_loop3A_126 = arith.index_cast %parallel_loop3A_125 : i32 to index
      %parallel_loop3A_127 = tpu.vector_load %arg4[%parallel_loop3A_126] {strides = array<i32>} : memref<32768xf32, #tpu.memory_space<vmem>>, vector<16xf32>,
      %parallel_loop3A_128 = vector.shape_cast %parallel_loop3A_127 : vector<16xf32> to vector<16xf32>
      %parallel_loop3A_129 = arith.addf %parallel_loop3A_109, %parallel_loop3A_128 : vector<16xf32>
      %parallel_loop3A_130 = arith.constant 32 : i32
      %parallel_loop3A_131 = arith.addi %parallel_loop3A_117, %parallel_loop3A_130 : i32
      %parallel_loop3A_132 = arith.index_cast %parallel_loop3A_131 : i32 to index
      %parallel_loop3A_133 = tpu.vector_load %arg4[%parallel_loop3A_132] {strides = array<i32>} : memref<32768xf32, #tpu.memory_space<vmem>>, vector<16xf32>,
      %parallel_loop3A_134 = vector.shape_cast %parallel_loop3A_133 : vector<16xf32> to vector<16xf32>
      %parallel_loop3A_135 = arith.addf %parallel_loop3A_110, %parallel_loop3A_134 : vector<16xf32>
      %parallel_loop3A_136 = arith.constant 48 : i32
      %parallel_loop3A_137 = arith.addi %parallel_loop3A_117, %parallel_loop3A_136 : i32
      %parallel_loop3A_138 = arith.index_cast %parallel_loop3A_137 : i32 to index
      %parallel_loop3A_139 = tpu.vector_load %arg4[%parallel_loop3A_138] {strides = array<i32>} : memref<32768xf32, #tpu.memory_space<vmem>>, vector<16xf32>,
      %parallel_loop3A_140 = vector.shape_cast %parallel_loop3A_139 : vector<16xf32> to vector<16xf32>
      %parallel_loop3A_141 = arith.addf %parallel_loop3A_111, %parallel_loop3A_140 : vector<16xf32>
      %parallel_loop3A_142 = arith.constant 64 : i32
      %parallel_loop3A_143 = arith.addi %parallel_loop3A_117, %parallel_loop3A_142 : i32
      %parallel_loop3A_144 = arith.index_cast %parallel_loop3A_143 : i32 to index
      %parallel_loop3A_145 = tpu.vector_load %arg4[%parallel_loop3A_144] {strides = array<i32>} : memref<32768xf32, #tpu.memory_space<vmem>>, vector<16xf32>,
      %parallel_loop3A_146 = vector.shape_cast %parallel_loop3A_145 : vector<16xf32> to vector<16xf32>
      %parallel_loop3A_147 = arith.addf %parallel_loop3A_112, %parallel_loop3A_146 : vector<16xf32>
      %parallel_loop3A_148 = arith.constant 80 : i32
      %parallel_loop3A_149 = arith.addi %parallel_loop3A_117, %parallel_loop3A_148 : i32
      %parallel_loop3A_150 = arith.index_cast %parallel_loop3A_149 : i32 to index
      %parallel_loop3A_151 = tpu.vector_load %arg4[%parallel_loop3A_150] {strides = array<i32>} : memref<32768xf32, #tpu.memory_space<vmem>>, vector<16xf32>,
      %parallel_loop3A_152 = vector.shape_cast %parallel_loop3A_151 : vector<16xf32> to vector<16xf32>
      %parallel_loop3A_153 = arith.addf %parallel_loop3A_113, %parallel_loop3A_152 : vector<16xf32>
      %parallel_loop3A_154 = arith.constant 96 : i32
      %parallel_loop3A_155 = arith.addi %parallel_loop3A_117, %parallel_loop3A_154 : i32
      %parallel_loop3A_156 = arith.index_cast %parallel_loop3A_155 : i32 to index
      %parallel_loop3A_157 = tpu.vector_load %arg4[%parallel_loop3A_156] {strides = array<i32>} : memref<32768xf32, #tpu.memory_space<vmem>>, vector<16xf32>,
      %parallel_loop3A_158 = vector.shape_cast %parallel_loop3A_157 : vector<16xf32> to vector<16xf32>
      %parallel_loop3A_159 = arith.addf %parallel_loop3A_114, %parallel_loop3A_158 : vector<16xf32>
      %parallel_loop3A_160 = arith.constant 112 : i32
      %parallel_loop3A_161 = arith.addi %parallel_loop3A_117, %parallel_loop3A_160 : i32
      %parallel_loop3A_162 = arith.index_cast %parallel_loop3A_161 : i32 to index
      %parallel_loop3A_163 = tpu.vector_load %arg4[%parallel_loop3A_162] {strides = array<i32>} : memref<32768xf32, #tpu.memory_space<vmem>>, vector<16xf32>,
      %parallel_loop3A_164 = vector.shape_cast %parallel_loop3A_163 : vector<16xf32> to vector<16xf32>
      %parallel_loop3A_165 = arith.addf %parallel_loop3A_115, %parallel_loop3A_164 : vector<16xf32>
      scf.yield %parallel_loop3A_123, %parallel_loop3A_129, %parallel_loop3A_135, %parallel_loop3A_141, %parallel_loop3A_147, %parallel_loop3A_153, %parallel_loop3A_159, %parallel_loop3A_165 : vector<16xf32>, vector<16xf32>, vector<16xf32>, vector<16xf32>, vector<16xf32>, vector<16xf32>, vector<16xf32>, vector<16xf32>
    } {sc.loop_unroll_factor = 4 : i64, sc.parallel_access}
    %add3A_27 = arith.constant 65536 : i32
    %add3A_28 = arith.addi %add3A, %add3A_27 : i32
    %dma_start3A_29 = tpu.memref_slice %arg2[%add3A_28] : memref<8388608xf32, #tpu.memory_space<hbm>> -> memref<32768xf32, #tpu.memory_space<hbm>>
    %dma_start3A_30 = tpu.memref_slice %arg2[%add3A_28] : memref<8388608xf32, #tpu.memory_space<hbm>> -> memref<32768xf32, #tpu.memory_space<hbm>>
    tpu.enqueue_dma source(%dma_start3A_30 : memref<32768xf32, #tpu.memory_space<hbm>>) target(%arg4 : memref<32768xf32, #tpu.memory_space<vmem>>) target_semaphore(%arg10 : memref<!tpu.dma_semaphore, #tpu.memory_space<semaphore_mem>>)
    %dma_wait3A_31 = tpu.memref_slice %arg2[%add3A_20] : memref<8388608xf32, #tpu.memory_space<hbm>> -> memref<32768xf32, #tpu.memory_space<hbm>>
    %dma_wait3A_32 = tpu.memref_slice %arg2[%add3A_20] : memref<8388608xf32, #tpu.memory_space<hbm>> -> memref<32768xf32, #tpu.memory_space<hbm>>
    tpu.wait_dma2 semaphore(%arg11 : memref<!tpu.dma_semaphore, #tpu.memory_space<semaphore_mem>>) src(%dma_wait3A_32 : memref<32768xf32, #tpu.memory_space<hbm>>) dst(%arg5 : memref<32768xf32, #tpu.memory_space<vmem>>)
    %parallel_loop3A_33 = arith.constant 0 : i32
    %parallel_loop3A_34 = arith.constant 256 : i32
    %parallel_loop3A_35 = arith.constant 1 : i32
    %parallel_loop3A_36:8 = scf.for %parallel_loop3A_107 = %parallel_loop3A_33 to %parallel_loop3A_34 step %parallel_loop3A_35 iter_args(%parallel_loop3A_108 = %parallel_loop3A_26#0, %parallel_loop3A_109 = %parallel_loop3A_26#1, %parallel_loop3A_110 = %parallel_loop3A_26#2, %parallel_loop3A_111 = %parallel_loop3A_26#3, %parallel_loop3A_112 = %parallel_loop3A_26#4, %parallel_loop3A_113 = %parallel_loop3A_26#5, %parallel_loop3A_114 = %parallel_loop3A_26#6, %parallel_loop3A_115 = %parallel_loop3A_26#7) -> (vector<16xf32>, vector<16xf32>, vector<16xf32>, vector<16xf32>, vector<16xf32>, vector<16xf32>, vector<16xf32>, vector<16xf32>)  : i32 {
      %parallel_loop3A_116 = arith.constant 128 : i32
      %parallel_loop3A_117 = arith.muli %parallel_loop3A_107, %parallel_loop3A_116 : i32
      %parallel_loop3A_118 = arith.constant 0 : i32
      %parallel_loop3A_119 = arith.addi %parallel_loop3A_117, %parallel_loop3A_118 : i32
      %parallel_loop3A_120 = arith.index_cast %parallel_loop3A_119 : i32 to index
      %parallel_loop3A_121 = tpu.vector_load %arg5[%parallel_loop3A_120] {strides = array<i32>} : memref<32768xf32, #tpu.memory_space<vmem>>, vector<16xf32>,
      %parallel_loop3A_122 = vector.shape_cast %parallel_loop3A_121 : vector<16xf32> to vector<16xf32>
      %parallel_loop3A_123 = arith.addf %parallel_loop3A_108, %parallel_loop3A_122 : vector<16xf32>
      %parallel_loop3A_124 = arith.constant 16 : i32
      %parallel_loop3A_125 = arith.addi %parallel_loop3A_117, %parallel_loop3A_124 : i32
      %parallel_loop3A_126 = arith.index_cast %parallel_loop3A_125 : i32 to index
      %parallel_loop3A_127 = tpu.vector_load %arg5[%parallel_loop3A_126] {strides = array<i32>} : memref<32768xf32, #tpu.memory_space<vmem>>, vector<16xf32>,
      %parallel_loop3A_128 = vector.shape_cast %parallel_loop3A_127 : vector<16xf32> to vector<16xf32>
      %parallel_loop3A_129 = arith.addf %parallel_loop3A_109, %parallel_loop3A_128 : vector<16xf32>
      %parallel_loop3A_130 = arith.constant 32 : i32
      %parallel_loop3A_131 = arith.addi %parallel_loop3A_117, %parallel_loop3A_130 : i32
      %parallel_loop3A_132 = arith.index_cast %parallel_loop3A_131 : i32 to index
      %parallel_loop3A_133 = tpu.vector_load %arg5[%parallel_loop3A_132] {strides = array<i32>} : memref<32768xf32, #tpu.memory_space<vmem>>, vector<16xf32>,
      %parallel_loop3A_134 = vector.shape_cast %parallel_loop3A_133 : vector<16xf32> to vector<16xf32>
      %parallel_loop3A_135 = arith.addf %parallel_loop3A_110, %parallel_loop3A_134 : vector<16xf32>
      %parallel_loop3A_136 = arith.constant 48 : i32
      %parallel_loop3A_137 = arith.addi %parallel_loop3A_117, %parallel_loop3A_136 : i32
      %parallel_loop3A_138 = arith.index_cast %parallel_loop3A_137 : i32 to index
      %parallel_loop3A_139 = tpu.vector_load %arg5[%parallel_loop3A_138] {strides = array<i32>} : memref<32768xf32, #tpu.memory_space<vmem>>, vector<16xf32>,
      %parallel_loop3A_140 = vector.shape_cast %parallel_loop3A_139 : vector<16xf32> to vector<16xf32>
      %parallel_loop3A_141 = arith.addf %parallel_loop3A_111, %parallel_loop3A_140 : vector<16xf32>
      %parallel_loop3A_142 = arith.constant 64 : i32
      %parallel_loop3A_143 = arith.addi %parallel_loop3A_117, %parallel_loop3A_142 : i32
      %parallel_loop3A_144 = arith.index_cast %parallel_loop3A_143 : i32 to index
      %parallel_loop3A_145 = tpu.vector_load %arg5[%parallel_loop3A_144] {strides = array<i32>} : memref<32768xf32, #tpu.memory_space<vmem>>, vector<16xf32>,
      %parallel_loop3A_146 = vector.shape_cast %parallel_loop3A_145 : vector<16xf32> to vector<16xf32>
      %parallel_loop3A_147 = arith.addf %parallel_loop3A_112, %parallel_loop3A_146 : vector<16xf32>
      %parallel_loop3A_148 = arith.constant 80 : i32
      %parallel_loop3A_149 = arith.addi %parallel_loop3A_117, %parallel_loop3A_148 : i32
      %parallel_loop3A_150 = arith.index_cast %parallel_loop3A_149 : i32 to index
      %parallel_loop3A_151 = tpu.vector_load %arg5[%parallel_loop3A_150] {strides = array<i32>} : memref<32768xf32, #tpu.memory_space<vmem>>, vector<16xf32>,
      %parallel_loop3A_152 = vector.shape_cast %parallel_loop3A_151 : vector<16xf32> to vector<16xf32>
      %parallel_loop3A_153 = arith.addf %parallel_loop3A_113, %parallel_loop3A_152 : vector<16xf32>
      %parallel_loop3A_154 = arith.constant 96 : i32
      %parallel_loop3A_155 = arith.addi %parallel_loop3A_117, %parallel_loop3A_154 : i32
      %parallel_loop3A_156 = arith.index_cast %parallel_loop3A_155 : i32 to index
      %parallel_loop3A_157 = tpu.vector_load %arg5[%parallel_loop3A_156] {strides = array<i32>} : memref<32768xf32, #tpu.memory_space<vmem>>, vector<16xf32>,
      %parallel_loop3A_158 = vector.shape_cast %parallel_loop3A_157 : vector<16xf32> to vector<16xf32>
      %parallel_loop3A_159 = arith.addf %parallel_loop3A_114, %parallel_loop3A_158 : vector<16xf32>
      %parallel_loop3A_160 = arith.constant 112 : i32
      %parallel_loop3A_161 = arith.addi %parallel_loop3A_117, %parallel_loop3A_160 : i32
      %parallel_loop3A_162 = arith.index_cast %parallel_loop3A_161 : i32 to index
      %parallel_loop3A_163 = tpu.vector_load %arg5[%parallel_loop3A_162] {strides = array<i32>} : memref<32768xf32, #tpu.memory_space<vmem>>, vector<16xf32>,
      %parallel_loop3A_164 = vector.shape_cast %parallel_loop3A_163 : vector<16xf32> to vector<16xf32>
      %parallel_loop3A_165 = arith.addf %parallel_loop3A_115, %parallel_loop3A_164 : vector<16xf32>
      scf.yield %parallel_loop3A_123, %parallel_loop3A_129, %parallel_loop3A_135, %parallel_loop3A_141, %parallel_loop3A_147, %parallel_loop3A_153, %parallel_loop3A_159, %parallel_loop3A_165 : vector<16xf32>, vector<16xf32>, vector<16xf32>, vector<16xf32>, vector<16xf32>, vector<16xf32>, vector<16xf32>, vector<16xf32>
    } {sc.loop_unroll_factor = 4 : i64, sc.parallel_access}
    %add3A_37 = arith.constant 98304 : i32
    %add3A_38 = arith.addi %add3A, %add3A_37 : i32
    %dma_start3A_39 = tpu.memref_slice %arg2[%add3A_38] : memref<8388608xf32, #tpu.memory_space<hbm>> -> memref<32768xf32, #tpu.memory_space<hbm>>
    %dma_start3A_40 = tpu.memref_slice %arg2[%add3A_38] : memref<8388608xf32, #tpu.memory_space<hbm>> -> memref<32768xf32, #tpu.memory_space<hbm>>
    tpu.enqueue_dma source(%dma_start3A_40 : memref<32768xf32, #tpu.memory_space<hbm>>) target(%arg5 : memref<32768xf32, #tpu.memory_space<vmem>>) target_semaphore(%arg11 : memref<!tpu.dma_semaphore, #tpu.memory_space<semaphore_mem>>)
    %dma_wait3A_41 = tpu.memref_slice %arg2[%add3A_28] : memref<8388608xf32, #tpu.memory_space<hbm>> -> memref<32768xf32, #tpu.memory_space<hbm>>
    %dma_wait3A_42 = tpu.memref_slice %arg2[%add3A_28] : memref<8388608xf32, #tpu.memory_space<hbm>> -> memref<32768xf32, #tpu.memory_space<hbm>>
    tpu.wait_dma2 semaphore(%arg10 : memref<!tpu.dma_semaphore, #tpu.memory_space<semaphore_mem>>) src(%dma_wait3A_42 : memref<32768xf32, #tpu.memory_space<hbm>>) dst(%arg4 : memref<32768xf32, #tpu.memory_space<vmem>>)
    %parallel_loop3A_43 = arith.constant 0 : i32
    %parallel_loop3A_44 = arith.constant 256 : i32
    %parallel_loop3A_45 = arith.constant 1 : i32
    %parallel_loop3A_46:8 = scf.for %parallel_loop3A_107 = %parallel_loop3A_43 to %parallel_loop3A_44 step %parallel_loop3A_45 iter_args(%parallel_loop3A_108 = %parallel_loop3A_36#0, %parallel_loop3A_109 = %parallel_loop3A_36#1, %parallel_loop3A_110 = %parallel_loop3A_36#2, %parallel_loop3A_111 = %parallel_loop3A_36#3, %parallel_loop3A_112 = %parallel_loop3A_36#4, %parallel_loop3A_113 = %parallel_loop3A_36#5, %parallel_loop3A_114 = %parallel_loop3A_36#6, %parallel_loop3A_115 = %parallel_loop3A_36#7) -> (vector<16xf32>, vector<16xf32>, vector<16xf32>, vector<16xf32>, vector<16xf32>, vector<16xf32>, vector<16xf32>, vector<16xf32>)  : i32 {
      %parallel_loop3A_116 = arith.constant 128 : i32
      %parallel_loop3A_117 = arith.muli %parallel_loop3A_107, %parallel_loop3A_116 : i32
      %parallel_loop3A_118 = arith.constant 0 : i32
      %parallel_loop3A_119 = arith.addi %parallel_loop3A_117, %parallel_loop3A_118 : i32
      %parallel_loop3A_120 = arith.index_cast %parallel_loop3A_119 : i32 to index
      %parallel_loop3A_121 = tpu.vector_load %arg4[%parallel_loop3A_120] {strides = array<i32>} : memref<32768xf32, #tpu.memory_space<vmem>>, vector<16xf32>,
      %parallel_loop3A_122 = vector.shape_cast %parallel_loop3A_121 : vector<16xf32> to vector<16xf32>
      %parallel_loop3A_123 = arith.addf %parallel_loop3A_108, %parallel_loop3A_122 : vector<16xf32>
      %parallel_loop3A_124 = arith.constant 16 : i32
      %parallel_loop3A_125 = arith.addi %parallel_loop3A_117, %parallel_loop3A_124 : i32
      %parallel_loop3A_126 = arith.index_cast %parallel_loop3A_125 : i32 to index
      %parallel_loop3A_127 = tpu.vector_load %arg4[%parallel_loop3A_126] {strides = array<i32>} : memref<32768xf32, #tpu.memory_space<vmem>>, vector<16xf32>,
      %parallel_loop3A_128 = vector.shape_cast %parallel_loop3A_127 : vector<16xf32> to vector<16xf32>
      %parallel_loop3A_129 = arith.addf %parallel_loop3A_109, %parallel_loop3A_128 : vector<16xf32>
      %parallel_loop3A_130 = arith.constant 32 : i32
      %parallel_loop3A_131 = arith.addi %parallel_loop3A_117, %parallel_loop3A_130 : i32
      %parallel_loop3A_132 = arith.index_cast %parallel_loop3A_131 : i32 to index
      %parallel_loop3A_133 = tpu.vector_load %arg4[%parallel_loop3A_132] {strides = array<i32>} : memref<32768xf32, #tpu.memory_space<vmem>>, vector<16xf32>,
      %parallel_loop3A_134 = vector.shape_cast %parallel_loop3A_133 : vector<16xf32> to vector<16xf32>
      %parallel_loop3A_135 = arith.addf %parallel_loop3A_110, %parallel_loop3A_134 : vector<16xf32>
      %parallel_loop3A_136 = arith.constant 48 : i32
      %parallel_loop3A_137 = arith.addi %parallel_loop3A_117, %parallel_loop3A_136 : i32
      %parallel_loop3A_138 = arith.index_cast %parallel_loop3A_137 : i32 to index
      %parallel_loop3A_139 = tpu.vector_load %arg4[%parallel_loop3A_138] {strides = array<i32>} : memref<32768xf32, #tpu.memory_space<vmem>>, vector<16xf32>,
      %parallel_loop3A_140 = vector.shape_cast %parallel_loop3A_139 : vector<16xf32> to vector<16xf32>
      %parallel_loop3A_141 = arith.addf %parallel_loop3A_111, %parallel_loop3A_140 : vector<16xf32>
      %parallel_loop3A_142 = arith.constant 64 : i32
      %parallel_loop3A_143 = arith.addi %parallel_loop3A_117, %parallel_loop3A_142 : i32
      %parallel_loop3A_144 = arith.index_cast %parallel_loop3A_143 : i32 to index
      %parallel_loop3A_145 = tpu.vector_load %arg4[%parallel_loop3A_144] {strides = array<i32>} : memref<32768xf32, #tpu.memory_space<vmem>>, vector<16xf32>,
      %parallel_loop3A_146 = vector.shape_cast %parallel_loop3A_145 : vector<16xf32> to vector<16xf32>
      %parallel_loop3A_147 = arith.addf %parallel_loop3A_112, %parallel_loop3A_146 : vector<16xf32>
      %parallel_loop3A_148 = arith.constant 80 : i32
      %parallel_loop3A_149 = arith.addi %parallel_loop3A_117, %parallel_loop3A_148 : i32
      %parallel_loop3A_150 = arith.index_cast %parallel_loop3A_149 : i32 to index
      %parallel_loop3A_151 = tpu.vector_load %arg4[%parallel_loop3A_150] {strides = array<i32>} : memref<32768xf32, #tpu.memory_space<vmem>>, vector<16xf32>,
      %parallel_loop3A_152 = vector.shape_cast %parallel_loop3A_151 : vector<16xf32> to vector<16xf32>
      %parallel_loop3A_153 = arith.addf %parallel_loop3A_113, %parallel_loop3A_152 : vector<16xf32>
      %parallel_loop3A_154 = arith.constant 96 : i32
      %parallel_loop3A_155 = arith.addi %parallel_loop3A_117, %parallel_loop3A_154 : i32
      %parallel_loop3A_156 = arith.index_cast %parallel_loop3A_155 : i32 to index
      %parallel_loop3A_157 = tpu.vector_load %arg4[%parallel_loop3A_156] {strides = array<i32>} : memref<32768xf32, #tpu.memory_space<vmem>>, vector<16xf32>,
      %parallel_loop3A_158 = vector.shape_cast %parallel_loop3A_157 : vector<16xf32> to vector<16xf32>
      %parallel_loop3A_159 = arith.addf %parallel_loop3A_114, %parallel_loop3A_158 : vector<16xf32>
      %parallel_loop3A_160 = arith.constant 112 : i32
      %parallel_loop3A_161 = arith.addi %parallel_loop3A_117, %parallel_loop3A_160 : i32
      %parallel_loop3A_162 = arith.index_cast %parallel_loop3A_161 : i32 to index
      %parallel_loop3A_163 = tpu.vector_load %arg4[%parallel_loop3A_162] {strides = array<i32>} : memref<32768xf32, #tpu.memory_space<vmem>>, vector<16xf32>,
      %parallel_loop3A_164 = vector.shape_cast %parallel_loop3A_163 : vector<16xf32> to vector<16xf32>
      %parallel_loop3A_165 = arith.addf %parallel_loop3A_115, %parallel_loop3A_164 : vector<16xf32>
      scf.yield %parallel_loop3A_123, %parallel_loop3A_129, %parallel_loop3A_135, %parallel_loop3A_141, %parallel_loop3A_147, %parallel_loop3A_153, %parallel_loop3A_159, %parallel_loop3A_165 : vector<16xf32>, vector<16xf32>, vector<16xf32>, vector<16xf32>, vector<16xf32>, vector<16xf32>, vector<16xf32>, vector<16xf32>
    } {sc.loop_unroll_factor = 4 : i64, sc.parallel_access}
    %add3A_47 = arith.constant 131072 : i32
    %add3A_48 = arith.addi %add3A, %add3A_47 : i32
    %dma_start3A_49 = tpu.memref_slice %arg2[%add3A_48] : memref<8388608xf32, #tpu.memory_space<hbm>> -> memref<32768xf32, #tpu.memory_space<hbm>>
    %dma_start3A_50 = tpu.memref_slice %arg2[%add3A_48] : memref<8388608xf32, #tpu.memory_space<hbm>> -> memref<32768xf32, #tpu.memory_space<hbm>>
    tpu.enqueue_dma source(%dma_start3A_50 : memref<32768xf32, #tpu.memory_space<hbm>>) target(%arg4 : memref<32768xf32, #tpu.memory_space<vmem>>) target_semaphore(%arg10 : memref<!tpu.dma_semaphore, #tpu.memory_space<semaphore_mem>>)
    %dma_wait3A_51 = tpu.memref_slice %arg2[%add3A_38] : memref<8388608xf32, #tpu.memory_space<hbm>> -> memref<32768xf32, #tpu.memory_space<hbm>>
    %dma_wait3A_52 = tpu.memref_slice %arg2[%add3A_38] : memref<8388608xf32, #tpu.memory_space<hbm>> -> memref<32768xf32, #tpu.memory_space<hbm>>
    tpu.wait_dma2 semaphore(%arg11 : memref<!tpu.dma_semaphore, #tpu.memory_space<semaphore_mem>>) src(%dma_wait3A_52 : memref<32768xf32, #tpu.memory_space<hbm>>) dst(%arg5 : memref<32768xf32, #tpu.memory_space<vmem>>)
    %parallel_loop3A_53 = arith.constant 0 : i32
    %parallel_loop3A_54 = arith.constant 256 : i32
    %parallel_loop3A_55 = arith.constant 1 : i32
    %parallel_loop3A_56:8 = scf.for %parallel_loop3A_107 = %parallel_loop3A_53 to %parallel_loop3A_54 step %parallel_loop3A_55 iter_args(%parallel_loop3A_108 = %parallel_loop3A_46#0, %parallel_loop3A_109 = %parallel_loop3A_46#1, %parallel_loop3A_110 = %parallel_loop3A_46#2, %parallel_loop3A_111 = %parallel_loop3A_46#3, %parallel_loop3A_112 = %parallel_loop3A_46#4, %parallel_loop3A_113 = %parallel_loop3A_46#5, %parallel_loop3A_114 = %parallel_loop3A_46#6, %parallel_loop3A_115 = %parallel_loop3A_46#7) -> (vector<16xf32>, vector<16xf32>, vector<16xf32>, vector<16xf32>, vector<16xf32>, vector<16xf32>, vector<16xf32>, vector<16xf32>)  : i32 {
      %parallel_loop3A_116 = arith.constant 128 : i32
      %parallel_loop3A_117 = arith.muli %parallel_loop3A_107, %parallel_loop3A_116 : i32
      %parallel_loop3A_118 = arith.constant 0 : i32
      %parallel_loop3A_119 = arith.addi %parallel_loop3A_117, %parallel_loop3A_118 : i32
      %parallel_loop3A_120 = arith.index_cast %parallel_loop3A_119 : i32 to index
      %parallel_loop3A_121 = tpu.vector_load %arg5[%parallel_loop3A_120] {strides = array<i32>} : memref<32768xf32, #tpu.memory_space<vmem>>, vector<16xf32>,
      %parallel_loop3A_122 = vector.shape_cast %parallel_loop3A_121 : vector<16xf32> to vector<16xf32>
      %parallel_loop3A_123 = arith.addf %parallel_loop3A_108, %parallel_loop3A_122 : vector<16xf32>
      %parallel_loop3A_124 = arith.constant 16 : i32
      %parallel_loop3A_125 = arith.addi %parallel_loop3A_117, %parallel_loop3A_124 : i32
      %parallel_loop3A_126 = arith.index_cast %parallel_loop3A_125 : i32 to index
      %parallel_loop3A_127 = tpu.vector_load %arg5[%parallel_loop3A_126] {strides = array<i32>} : memref<32768xf32, #tpu.memory_space<vmem>>, vector<16xf32>,
      %parallel_loop3A_128 = vector.shape_cast %parallel_loop3A_127 : vector<16xf32> to vector<16xf32>
      %parallel_loop3A_129 = arith.addf %parallel_loop3A_109, %parallel_loop3A_128 : vector<16xf32>
      %parallel_loop3A_130 = arith.constant 32 : i32
      %parallel_loop3A_131 = arith.addi %parallel_loop3A_117, %parallel_loop3A_130 : i32
      %parallel_loop3A_132 = arith.index_cast %parallel_loop3A_131 : i32 to index
      %parallel_loop3A_133 = tpu.vector_load %arg5[%parallel_loop3A_132] {strides = array<i32>} : memref<32768xf32, #tpu.memory_space<vmem>>, vector<16xf32>,
      %parallel_loop3A_134 = vector.shape_cast %parallel_loop3A_133 : vector<16xf32> to vector<16xf32>
      %parallel_loop3A_135 = arith.addf %parallel_loop3A_110, %parallel_loop3A_134 : vector<16xf32>
      %parallel_loop3A_136 = arith.constant 48 : i32
      %parallel_loop3A_137 = arith.addi %parallel_loop3A_117, %parallel_loop3A_136 : i32
      %parallel_loop3A_138 = arith.index_cast %parallel_loop3A_137 : i32 to index
      %parallel_loop3A_139 = tpu.vector_load %arg5[%parallel_loop3A_138] {strides = array<i32>} : memref<32768xf32, #tpu.memory_space<vmem>>, vector<16xf32>,
      %parallel_loop3A_140 = vector.shape_cast %parallel_loop3A_139 : vector<16xf32> to vector<16xf32>
      %parallel_loop3A_141 = arith.addf %parallel_loop3A_111, %parallel_loop3A_140 : vector<16xf32>
      %parallel_loop3A_142 = arith.constant 64 : i32
      %parallel_loop3A_143 = arith.addi %parallel_loop3A_117, %parallel_loop3A_142 : i32
      %parallel_loop3A_144 = arith.index_cast %parallel_loop3A_143 : i32 to index
      %parallel_loop3A_145 = tpu.vector_load %arg5[%parallel_loop3A_144] {strides = array<i32>} : memref<32768xf32, #tpu.memory_space<vmem>>, vector<16xf32>,
      %parallel_loop3A_146 = vector.shape_cast %parallel_loop3A_145 : vector<16xf32> to vector<16xf32>
      %parallel_loop3A_147 = arith.addf %parallel_loop3A_112, %parallel_loop3A_146 : vector<16xf32>
      %parallel_loop3A_148 = arith.constant 80 : i32
      %parallel_loop3A_149 = arith.addi %parallel_loop3A_117, %parallel_loop3A_148 : i32
      %parallel_loop3A_150 = arith.index_cast %parallel_loop3A_149 : i32 to index
      %parallel_loop3A_151 = tpu.vector_load %arg5[%parallel_loop3A_150] {strides = array<i32>} : memref<32768xf32, #tpu.memory_space<vmem>>, vector<16xf32>,
      %parallel_loop3A_152 = vector.shape_cast %parallel_loop3A_151 : vector<16xf32> to vector<16xf32>
      %parallel_loop3A_153 = arith.addf %parallel_loop3A_113, %parallel_loop3A_152 : vector<16xf32>
      %parallel_loop3A_154 = arith.constant 96 : i32
      %parallel_loop3A_155 = arith.addi %parallel_loop3A_117, %parallel_loop3A_154 : i32
      %parallel_loop3A_156 = arith.index_cast %parallel_loop3A_155 : i32 to index
      %parallel_loop3A_157 = tpu.vector_load %arg5[%parallel_loop3A_156] {strides = array<i32>} : memref<32768xf32, #tpu.memory_space<vmem>>, vector<16xf32>,
      %parallel_loop3A_158 = vector.shape_cast %parallel_loop3A_157 : vector<16xf32> to vector<16xf32>
      %parallel_loop3A_159 = arith.addf %parallel_loop3A_114, %parallel_loop3A_158 : vector<16xf32>
      %parallel_loop3A_160 = arith.constant 112 : i32
      %parallel_loop3A_161 = arith.addi %parallel_loop3A_117, %parallel_loop3A_160 : i32
      %parallel_loop3A_162 = arith.index_cast %parallel_loop3A_161 : i32 to index
      %parallel_loop3A_163 = tpu.vector_load %arg5[%parallel_loop3A_162] {strides = array<i32>} : memref<32768xf32, #tpu.memory_space<vmem>>, vector<16xf32>,
      %parallel_loop3A_164 = vector.shape_cast %parallel_loop3A_163 : vector<16xf32> to vector<16xf32>
      %parallel_loop3A_165 = arith.addf %parallel_loop3A_115, %parallel_loop3A_164 : vector<16xf32>
      scf.yield %parallel_loop3A_123, %parallel_loop3A_129, %parallel_loop3A_135, %parallel_loop3A_141, %parallel_loop3A_147, %parallel_loop3A_153, %parallel_loop3A_159, %parallel_loop3A_165 : vector<16xf32>, vector<16xf32>, vector<16xf32>, vector<16xf32>, vector<16xf32>, vector<16xf32>, vector<16xf32>, vector<16xf32>
    } {sc.loop_unroll_factor = 4 : i64, sc.parallel_access}
    %add3A_57 = arith.constant 163840 : i32
    %add3A_58 = arith.addi %add3A, %add3A_57 : i32
    %dma_start3A_59 = tpu.memref_slice %arg2[%add3A_58] : memref<8388608xf32, #tpu.memory_space<hbm>> -> memref<32768xf32, #tpu.memory_space<hbm>>
    %dma_start3A_60 = tpu.memref_slice %arg2[%add3A_58] : memref<8388608xf32, #tpu.memory_space<hbm>> -> memref<32768xf32, #tpu.memory_space<hbm>>
    tpu.enqueue_dma source(%dma_start3A_60 : memref<32768xf32, #tpu.memory_space<hbm>>) target(%arg5 : memref<32768xf32, #tpu.memory_space<vmem>>) target_semaphore(%arg11 : memref<!tpu.dma_semaphore, #tpu.memory_space<semaphore_mem>>)
    %dma_wait3A_61 = tpu.memref_slice %arg2[%add3A_48] : memref<8388608xf32, #tpu.memory_space<hbm>> -> memref<32768xf32, #tpu.memory_space<hbm>>
    %dma_wait3A_62 = tpu.memref_slice %arg2[%add3A_48] : memref<8388608xf32, #tpu.memory_space<hbm>> -> memref<32768xf32, #tpu.memory_space<hbm>>
    tpu.wait_dma2 semaphore(%arg10 : memref<!tpu.dma_semaphore, #tpu.memory_space<semaphore_mem>>) src(%dma_wait3A_62 : memref<32768xf32, #tpu.memory_space<hbm>>) dst(%arg4 : memref<32768xf32, #tpu.memory_space<vmem>>)
    %parallel_loop3A_63 = arith.constant 0 : i32
    %parallel_loop3A_64 = arith.constant 256 : i32
    %parallel_loop3A_65 = arith.constant 1 : i32
    %parallel_loop3A_66:8 = scf.for %parallel_loop3A_107 = %parallel_loop3A_63 to %parallel_loop3A_64 step %parallel_loop3A_65 iter_args(%parallel_loop3A_108 = %parallel_loop3A_56#0, %parallel_loop3A_109 = %parallel_loop3A_56#1, %parallel_loop3A_110 = %parallel_loop3A_56#2, %parallel_loop3A_111 = %parallel_loop3A_56#3, %parallel_loop3A_112 = %parallel_loop3A_56#4, %parallel_loop3A_113 = %parallel_loop3A_56#5, %parallel_loop3A_114 = %parallel_loop3A_56#6, %parallel_loop3A_115 = %parallel_loop3A_56#7) -> (vector<16xf32>, vector<16xf32>, vector<16xf32>, vector<16xf32>, vector<16xf32>, vector<16xf32>, vector<16xf32>, vector<16xf32>)  : i32 {
      %parallel_loop3A_116 = arith.constant 128 : i32
      %parallel_loop3A_117 = arith.muli %parallel_loop3A_107, %parallel_loop3A_116 : i32
      %parallel_loop3A_118 = arith.constant 0 : i32
      %parallel_loop3A_119 = arith.addi %parallel_loop3A_117, %parallel_loop3A_118 : i32
      %parallel_loop3A_120 = arith.index_cast %parallel_loop3A_119 : i32 to index
      %parallel_loop3A_121 = tpu.vector_load %arg4[%parallel_loop3A_120] {strides = array<i32>} : memref<32768xf32, #tpu.memory_space<vmem>>, vector<16xf32>,
      %parallel_loop3A_122 = vector.shape_cast %parallel_loop3A_121 : vector<16xf32> to vector<16xf32>
      %parallel_loop3A_123 = arith.addf %parallel_loop3A_108, %parallel_loop3A_122 : vector<16xf32>
      %parallel_loop3A_124 = arith.constant 16 : i32
      %parallel_loop3A_125 = arith.addi %parallel_loop3A_117, %parallel_loop3A_124 : i32
      %parallel_loop3A_126 = arith.index_cast %parallel_loop3A_125 : i32 to index
      %parallel_loop3A_127 = tpu.vector_load %arg4[%parallel_loop3A_126] {strides = array<i32>} : memref<32768xf32, #tpu.memory_space<vmem>>, vector<16xf32>,
      %parallel_loop3A_128 = vector.shape_cast %parallel_loop3A_127 : vector<16xf32> to vector<16xf32>
      %parallel_loop3A_129 = arith.addf %parallel_loop3A_109, %parallel_loop3A_128 : vector<16xf32>
      %parallel_loop3A_130 = arith.constant 32 : i32
      %parallel_loop3A_131 = arith.addi %parallel_loop3A_117, %parallel_loop3A_130 : i32
      %parallel_loop3A_132 = arith.index_cast %parallel_loop3A_131 : i32 to index
      %parallel_loop3A_133 = tpu.vector_load %arg4[%parallel_loop3A_132] {strides = array<i32>} : memref<32768xf32, #tpu.memory_space<vmem>>, vector<16xf32>,
      %parallel_loop3A_134 = vector.shape_cast %parallel_loop3A_133 : vector<16xf32> to vector<16xf32>
      %parallel_loop3A_135 = arith.addf %parallel_loop3A_110, %parallel_loop3A_134 : vector<16xf32>
      %parallel_loop3A_136 = arith.constant 48 : i32
      %parallel_loop3A_137 = arith.addi %parallel_loop3A_117, %parallel_loop3A_136 : i32
      %parallel_loop3A_138 = arith.index_cast %parallel_loop3A_137 : i32 to index
      %parallel_loop3A_139 = tpu.vector_load %arg4[%parallel_loop3A_138] {strides = array<i32>} : memref<32768xf32, #tpu.memory_space<vmem>>, vector<16xf32>,
      %parallel_loop3A_140 = vector.shape_cast %parallel_loop3A_139 : vector<16xf32> to vector<16xf32>
      %parallel_loop3A_141 = arith.addf %parallel_loop3A_111, %parallel_loop3A_140 : vector<16xf32>
      %parallel_loop3A_142 = arith.constant 64 : i32
      %parallel_loop3A_143 = arith.addi %parallel_loop3A_117, %parallel_loop3A_142 : i32
      %parallel_loop3A_144 = arith.index_cast %parallel_loop3A_143 : i32 to index
      %parallel_loop3A_145 = tpu.vector_load %arg4[%parallel_loop3A_144] {strides = array<i32>} : memref<32768xf32, #tpu.memory_space<vmem>>, vector<16xf32>,
      %parallel_loop3A_146 = vector.shape_cast %parallel_loop3A_145 : vector<16xf32> to vector<16xf32>
      %parallel_loop3A_147 = arith.addf %parallel_loop3A_112, %parallel_loop3A_146 : vector<16xf32>
      %parallel_loop3A_148 = arith.constant 80 : i32
      %parallel_loop3A_149 = arith.addi %parallel_loop3A_117, %parallel_loop3A_148 : i32
      %parallel_loop3A_150 = arith.index_cast %parallel_loop3A_149 : i32 to index
      %parallel_loop3A_151 = tpu.vector_load %arg4[%parallel_loop3A_150] {strides = array<i32>} : memref<32768xf32, #tpu.memory_space<vmem>>, vector<16xf32>,
      %parallel_loop3A_152 = vector.shape_cast %parallel_loop3A_151 : vector<16xf32> to vector<16xf32>
      %parallel_loop3A_153 = arith.addf %parallel_loop3A_113, %parallel_loop3A_152 : vector<16xf32>
      %parallel_loop3A_154 = arith.constant 96 : i32
      %parallel_loop3A_155 = arith.addi %parallel_loop3A_117, %parallel_loop3A_154 : i32
      %parallel_loop3A_156 = arith.index_cast %parallel_loop3A_155 : i32 to index
      %parallel_loop3A_157 = tpu.vector_load %arg4[%parallel_loop3A_156] {strides = array<i32>} : memref<32768xf32, #tpu.memory_space<vmem>>, vector<16xf32>,
      %parallel_loop3A_158 = vector.shape_cast %parallel_loop3A_157 : vector<16xf32> to vector<16xf32>
      %parallel_loop3A_159 = arith.addf %parallel_loop3A_114, %parallel_loop3A_158 : vector<16xf32>
      %parallel_loop3A_160 = arith.constant 112 : i32
      %parallel_loop3A_161 = arith.addi %parallel_loop3A_117, %parallel_loop3A_160 : i32
      %parallel_loop3A_162 = arith.index_cast %parallel_loop3A_161 : i32 to index
      %parallel_loop3A_163 = tpu.vector_load %arg4[%parallel_loop3A_162] {strides = array<i32>} : memref<32768xf32, #tpu.memory_space<vmem>>, vector<16xf32>,
      %parallel_loop3A_164 = vector.shape_cast %parallel_loop3A_163 : vector<16xf32> to vector<16xf32>
      %parallel_loop3A_165 = arith.addf %parallel_loop3A_115, %parallel_loop3A_164 : vector<16xf32>
      scf.yield %parallel_loop3A_123, %parallel_loop3A_129, %parallel_loop3A_135, %parallel_loop3A_141, %parallel_loop3A_147, %parallel_loop3A_153, %parallel_loop3A_159, %parallel_loop3A_165 : vector<16xf32>, vector<16xf32>, vector<16xf32>, vector<16xf32>, vector<16xf32>, vector<16xf32>, vector<16xf32>, vector<16xf32>
    } {sc.loop_unroll_factor = 4 : i64, sc.parallel_access}
    %add3A_67 = arith.constant 196608 : i32
    %add3A_68 = arith.addi %add3A, %add3A_67 : i32
    %dma_start3A_69 = tpu.memref_slice %arg2[%add3A_68] : memref<8388608xf32, #tpu.memory_space<hbm>> -> memref<32768xf32, #tpu.memory_space<hbm>>
    %dma_start3A_70 = tpu.memref_slice %arg2[%add3A_68] : memref<8388608xf32, #tpu.memory_space<hbm>> -> memref<32768xf32, #tpu.memory_space<hbm>>
    tpu.enqueue_dma source(%dma_start3A_70 : memref<32768xf32, #tpu.memory_space<hbm>>) target(%arg4 : memref<32768xf32, #tpu.memory_space<vmem>>) target_semaphore(%arg10 : memref<!tpu.dma_semaphore, #tpu.memory_space<semaphore_mem>>)
    %dma_wait3A_71 = tpu.memref_slice %arg2[%add3A_58] : memref<8388608xf32, #tpu.memory_space<hbm>> -> memref<32768xf32, #tpu.memory_space<hbm>>
    %dma_wait3A_72 = tpu.memref_slice %arg2[%add3A_58] : memref<8388608xf32, #tpu.memory_space<hbm>> -> memref<32768xf32, #tpu.memory_space<hbm>>
    tpu.wait_dma2 semaphore(%arg11 : memref<!tpu.dma_semaphore, #tpu.memory_space<semaphore_mem>>) src(%dma_wait3A_72 : memref<32768xf32, #tpu.memory_space<hbm>>) dst(%arg5 : memref<32768xf32, #tpu.memory_space<vmem>>)
    %parallel_loop3A_73 = arith.constant 0 : i32
    %parallel_loop3A_74 = arith.constant 256 : i32
    %parallel_loop3A_75 = arith.constant 1 : i32
    %parallel_loop3A_76:8 = scf.for %parallel_loop3A_107 = %parallel_loop3A_73 to %parallel_loop3A_74 step %parallel_loop3A_75 iter_args(%parallel_loop3A_108 = %parallel_loop3A_66#0, %parallel_loop3A_109 = %parallel_loop3A_66#1, %parallel_loop3A_110 = %parallel_loop3A_66#2, %parallel_loop3A_111 = %parallel_loop3A_66#3, %parallel_loop3A_112 = %parallel_loop3A_66#4, %parallel_loop3A_113 = %parallel_loop3A_66#5, %parallel_loop3A_114 = %parallel_loop3A_66#6, %parallel_loop3A_115 = %parallel_loop3A_66#7) -> (vector<16xf32>, vector<16xf32>, vector<16xf32>, vector<16xf32>, vector<16xf32>, vector<16xf32>, vector<16xf32>, vector<16xf32>)  : i32 {
      %parallel_loop3A_116 = arith.constant 128 : i32
      %parallel_loop3A_117 = arith.muli %parallel_loop3A_107, %parallel_loop3A_116 : i32
      %parallel_loop3A_118 = arith.constant 0 : i32
      %parallel_loop3A_119 = arith.addi %parallel_loop3A_117, %parallel_loop3A_118 : i32
      %parallel_loop3A_120 = arith.index_cast %parallel_loop3A_119 : i32 to index
      %parallel_loop3A_121 = tpu.vector_load %arg5[%parallel_loop3A_120] {strides = array<i32>} : memref<32768xf32, #tpu.memory_space<vmem>>, vector<16xf32>,
      %parallel_loop3A_122 = vector.shape_cast %parallel_loop3A_121 : vector<16xf32> to vector<16xf32>
      %parallel_loop3A_123 = arith.addf %parallel_loop3A_108, %parallel_loop3A_122 : vector<16xf32>
      %parallel_loop3A_124 = arith.constant 16 : i32
      %parallel_loop3A_125 = arith.addi %parallel_loop3A_117, %parallel_loop3A_124 : i32
      %parallel_loop3A_126 = arith.index_cast %parallel_loop3A_125 : i32 to index
      %parallel_loop3A_127 = tpu.vector_load %arg5[%parallel_loop3A_126] {strides = array<i32>} : memref<32768xf32, #tpu.memory_space<vmem>>, vector<16xf32>,
      %parallel_loop3A_128 = vector.shape_cast %parallel_loop3A_127 : vector<16xf32> to vector<16xf32>
      %parallel_loop3A_129 = arith.addf %parallel_loop3A_109, %parallel_loop3A_128 : vector<16xf32>
      %parallel_loop3A_130 = arith.constant 32 : i32
      %parallel_loop3A_131 = arith.addi %parallel_loop3A_117, %parallel_loop3A_130 : i32
      %parallel_loop3A_132 = arith.index_cast %parallel_loop3A_131 : i32 to index
      %parallel_loop3A_133 = tpu.vector_load %arg5[%parallel_loop3A_132] {strides = array<i32>} : memref<32768xf32, #tpu.memory_space<vmem>>, vector<16xf32>,
      %parallel_loop3A_134 = vector.shape_cast %parallel_loop3A_133 : vector<16xf32> to vector<16xf32>
      %parallel_loop3A_135 = arith.addf %parallel_loop3A_110, %parallel_loop3A_134 : vector<16xf32>
      %parallel_loop3A_136 = arith.constant 48 : i32
      %parallel_loop3A_137 = arith.addi %parallel_loop3A_117, %parallel_loop3A_136 : i32
      %parallel_loop3A_138 = arith.index_cast %parallel_loop3A_137 : i32 to index
      %parallel_loop3A_139 = tpu.vector_load %arg5[%parallel_loop3A_138] {strides = array<i32>} : memref<32768xf32, #tpu.memory_space<vmem>>, vector<16xf32>,
      %parallel_loop3A_140 = vector.shape_cast %parallel_loop3A_139 : vector<16xf32> to vector<16xf32>
      %parallel_loop3A_141 = arith.addf %parallel_loop3A_111, %parallel_loop3A_140 : vector<16xf32>
      %parallel_loop3A_142 = arith.constant 64 : i32
      %parallel_loop3A_143 = arith.addi %parallel_loop3A_117, %parallel_loop3A_142 : i32
      %parallel_loop3A_144 = arith.index_cast %parallel_loop3A_143 : i32 to index
      %parallel_loop3A_145 = tpu.vector_load %arg5[%parallel_loop3A_144] {strides = array<i32>} : memref<32768xf32, #tpu.memory_space<vmem>>, vector<16xf32>,
      %parallel_loop3A_146 = vector.shape_cast %parallel_loop3A_145 : vector<16xf32> to vector<16xf32>
      %parallel_loop3A_147 = arith.addf %parallel_loop3A_112, %parallel_loop3A_146 : vector<16xf32>
      %parallel_loop3A_148 = arith.constant 80 : i32
      %parallel_loop3A_149 = arith.addi %parallel_loop3A_117, %parallel_loop3A_148 : i32
      %parallel_loop3A_150 = arith.index_cast %parallel_loop3A_149 : i32 to index
      %parallel_loop3A_151 = tpu.vector_load %arg5[%parallel_loop3A_150] {strides = array<i32>} : memref<32768xf32, #tpu.memory_space<vmem>>, vector<16xf32>,
      %parallel_loop3A_152 = vector.shape_cast %parallel_loop3A_151 : vector<16xf32> to vector<16xf32>
      %parallel_loop3A_153 = arith.addf %parallel_loop3A_113, %parallel_loop3A_152 : vector<16xf32>
      %parallel_loop3A_154 = arith.constant 96 : i32
      %parallel_loop3A_155 = arith.addi %parallel_loop3A_117, %parallel_loop3A_154 : i32
      %parallel_loop3A_156 = arith.index_cast %parallel_loop3A_155 : i32 to index
      %parallel_loop3A_157 = tpu.vector_load %arg5[%parallel_loop3A_156] {strides = array<i32>} : memref<32768xf32, #tpu.memory_space<vmem>>, vector<16xf32>,
      %parallel_loop3A_158 = vector.shape_cast %parallel_loop3A_157 : vector<16xf32> to vector<16xf32>
      %parallel_loop3A_159 = arith.addf %parallel_loop3A_114, %parallel_loop3A_158 : vector<16xf32>
      %parallel_loop3A_160 = arith.constant 112 : i32
      %parallel_loop3A_161 = arith.addi %parallel_loop3A_117, %parallel_loop3A_160 : i32
      %parallel_loop3A_162 = arith.index_cast %parallel_loop3A_161 : i32 to index
      %parallel_loop3A_163 = tpu.vector_load %arg5[%parallel_loop3A_162] {strides = array<i32>} : memref<32768xf32, #tpu.memory_space<vmem>>, vector<16xf32>,
      %parallel_loop3A_164 = vector.shape_cast %parallel_loop3A_163 : vector<16xf32> to vector<16xf32>
      %parallel_loop3A_165 = arith.addf %parallel_loop3A_115, %parallel_loop3A_164 : vector<16xf32>
      scf.yield %parallel_loop3A_123, %parallel_loop3A_129, %parallel_loop3A_135, %parallel_loop3A_141, %parallel_loop3A_147, %parallel_loop3A_153, %parallel_loop3A_159, %parallel_loop3A_165 : vector<16xf32>, vector<16xf32>, vector<16xf32>, vector<16xf32>, vector<16xf32>, vector<16xf32>, vector<16xf32>, vector<16xf32>
    } {sc.loop_unroll_factor = 4 : i64, sc.parallel_access}
    %add3A_77 = arith.constant 229376 : i32
    %add3A_78 = arith.addi %add3A, %add3A_77 : i32
    %dma_start3A_79 = tpu.memref_slice %arg2[%add3A_78] : memref<8388608xf32, #tpu.memory_space<hbm>> -> memref<32768xf32, #tpu.memory_space<hbm>>
    %dma_start3A_80 = tpu.memref_slice %arg2[%add3A_78] : memref<8388608xf32, #tpu.memory_space<hbm>> -> memref<32768xf32, #tpu.memory_space<hbm>>
    tpu.enqueue_dma source(%dma_start3A_80 : memref<32768xf32, #tpu.memory_space<hbm>>) target(%arg5 : memref<32768xf32, #tpu.memory_space<vmem>>) target_semaphore(%arg11 : memref<!tpu.dma_semaphore, #tpu.memory_space<semaphore_mem>>)
    %dma_wait3A_81 = tpu.memref_slice %arg2[%add3A_68] : memref<8388608xf32, #tpu.memory_space<hbm>> -> memref<32768xf32, #tpu.memory_space<hbm>>
    %dma_wait3A_82 = tpu.memref_slice %arg2[%add3A_68] : memref<8388608xf32, #tpu.memory_space<hbm>> -> memref<32768xf32, #tpu.memory_space<hbm>>
    tpu.wait_dma2 semaphore(%arg10 : memref<!tpu.dma_semaphore, #tpu.memory_space<semaphore_mem>>) src(%dma_wait3A_82 : memref<32768xf32, #tpu.memory_space<hbm>>) dst(%arg4 : memref<32768xf32, #tpu.memory_space<vmem>>)
    %parallel_loop3A_83 = arith.constant 0 : i32
    %parallel_loop3A_84 = arith.constant 256 : i32
    %parallel_loop3A_85 = arith.constant 1 : i32
    %parallel_loop3A_86:8 = scf.for %parallel_loop3A_107 = %parallel_loop3A_83 to %parallel_loop3A_84 step %parallel_loop3A_85 iter_args(%parallel_loop3A_108 = %parallel_loop3A_76#0, %parallel_loop3A_109 = %parallel_loop3A_76#1, %parallel_loop3A_110 = %parallel_loop3A_76#2, %parallel_loop3A_111 = %parallel_loop3A_76#3, %parallel_loop3A_112 = %parallel_loop3A_76#4, %parallel_loop3A_113 = %parallel_loop3A_76#5, %parallel_loop3A_114 = %parallel_loop3A_76#6, %parallel_loop3A_115 = %parallel_loop3A_76#7) -> (vector<16xf32>, vector<16xf32>, vector<16xf32>, vector<16xf32>, vector<16xf32>, vector<16xf32>, vector<16xf32>, vector<16xf32>)  : i32 {
      %parallel_loop3A_116 = arith.constant 128 : i32
      %parallel_loop3A_117 = arith.muli %parallel_loop3A_107, %parallel_loop3A_116 : i32
      %parallel_loop3A_118 = arith.constant 0 : i32
      %parallel_loop3A_119 = arith.addi %parallel_loop3A_117, %parallel_loop3A_118 : i32
      %parallel_loop3A_120 = arith.index_cast %parallel_loop3A_119 : i32 to index
      %parallel_loop3A_121 = tpu.vector_load %arg4[%parallel_loop3A_120] {strides = array<i32>} : memref<32768xf32, #tpu.memory_space<vmem>>, vector<16xf32>,
      %parallel_loop3A_122 = vector.shape_cast %parallel_loop3A_121 : vector<16xf32> to vector<16xf32>
      %parallel_loop3A_123 = arith.addf %parallel_loop3A_108, %parallel_loop3A_122 : vector<16xf32>
      %parallel_loop3A_124 = arith.constant 16 : i32
      %parallel_loop3A_125 = arith.addi %parallel_loop3A_117, %parallel_loop3A_124 : i32
      %parallel_loop3A_126 = arith.index_cast %parallel_loop3A_125 : i32 to index
      %parallel_loop3A_127 = tpu.vector_load %arg4[%parallel_loop3A_126] {strides = array<i32>} : memref<32768xf32, #tpu.memory_space<vmem>>, vector<16xf32>,
      %parallel_loop3A_128 = vector.shape_cast %parallel_loop3A_127 : vector<16xf32> to vector<16xf32>
      %parallel_loop3A_129 = arith.addf %parallel_loop3A_109, %parallel_loop3A_128 : vector<16xf32>
      %parallel_loop3A_130 = arith.constant 32 : i32
      %parallel_loop3A_131 = arith.addi %parallel_loop3A_117, %parallel_loop3A_130 : i32
      %parallel_loop3A_132 = arith.index_cast %parallel_loop3A_131 : i32 to index
      %parallel_loop3A_133 = tpu.vector_load %arg4[%parallel_loop3A_132] {strides = array<i32>} : memref<32768xf32, #tpu.memory_space<vmem>>, vector<16xf32>,
      %parallel_loop3A_134 = vector.shape_cast %parallel_loop3A_133 : vector<16xf32> to vector<16xf32>
      %parallel_loop3A_135 = arith.addf %parallel_loop3A_110, %parallel_loop3A_134 : vector<16xf32>
      %parallel_loop3A_136 = arith.constant 48 : i32
      %parallel_loop3A_137 = arith.addi %parallel_loop3A_117, %parallel_loop3A_136 : i32
      %parallel_loop3A_138 = arith.index_cast %parallel_loop3A_137 : i32 to index
      %parallel_loop3A_139 = tpu.vector_load %arg4[%parallel_loop3A_138] {strides = array<i32>} : memref<32768xf32, #tpu.memory_space<vmem>>, vector<16xf32>,
      %parallel_loop3A_140 = vector.shape_cast %parallel_loop3A_139 : vector<16xf32> to vector<16xf32>
      %parallel_loop3A_141 = arith.addf %parallel_loop3A_111, %parallel_loop3A_140 : vector<16xf32>
      %parallel_loop3A_142 = arith.constant 64 : i32
      %parallel_loop3A_143 = arith.addi %parallel_loop3A_117, %parallel_loop3A_142 : i32
      %parallel_loop3A_144 = arith.index_cast %parallel_loop3A_143 : i32 to index
      %parallel_loop3A_145 = tpu.vector_load %arg4[%parallel_loop3A_144] {strides = array<i32>} : memref<32768xf32, #tpu.memory_space<vmem>>, vector<16xf32>,
      %parallel_loop3A_146 = vector.shape_cast %parallel_loop3A_145 : vector<16xf32> to vector<16xf32>
      %parallel_loop3A_147 = arith.addf %parallel_loop3A_112, %parallel_loop3A_146 : vector<16xf32>
      %parallel_loop3A_148 = arith.constant 80 : i32
      %parallel_loop3A_149 = arith.addi %parallel_loop3A_117, %parallel_loop3A_148 : i32
      %parallel_loop3A_150 = arith.index_cast %parallel_loop3A_149 : i32 to index
      %parallel_loop3A_151 = tpu.vector_load %arg4[%parallel_loop3A_150] {strides = array<i32>} : memref<32768xf32, #tpu.memory_space<vmem>>, vector<16xf32>,
      %parallel_loop3A_152 = vector.shape_cast %parallel_loop3A_151 : vector<16xf32> to vector<16xf32>
      %parallel_loop3A_153 = arith.addf %parallel_loop3A_113, %parallel_loop3A_152 : vector<16xf32>
      %parallel_loop3A_154 = arith.constant 96 : i32
      %parallel_loop3A_155 = arith.addi %parallel_loop3A_117, %parallel_loop3A_154 : i32
      %parallel_loop3A_156 = arith.index_cast %parallel_loop3A_155 : i32 to index
      %parallel_loop3A_157 = tpu.vector_load %arg4[%parallel_loop3A_156] {strides = array<i32>} : memref<32768xf32, #tpu.memory_space<vmem>>, vector<16xf32>,
      %parallel_loop3A_158 = vector.shape_cast %parallel_loop3A_157 : vector<16xf32> to vector<16xf32>
      %parallel_loop3A_159 = arith.addf %parallel_loop3A_114, %parallel_loop3A_158 : vector<16xf32>
      %parallel_loop3A_160 = arith.constant 112 : i32
      %parallel_loop3A_161 = arith.addi %parallel_loop3A_117, %parallel_loop3A_160 : i32
      %parallel_loop3A_162 = arith.index_cast %parallel_loop3A_161 : i32 to index
      %parallel_loop3A_163 = tpu.vector_load %arg4[%parallel_loop3A_162] {strides = array<i32>} : memref<32768xf32, #tpu.memory_space<vmem>>, vector<16xf32>,
      %parallel_loop3A_164 = vector.shape_cast %parallel_loop3A_163 : vector<16xf32> to vector<16xf32>
      %parallel_loop3A_165 = arith.addf %parallel_loop3A_115, %parallel_loop3A_164 : vector<16xf32>
      scf.yield %parallel_loop3A_123, %parallel_loop3A_129, %parallel_loop3A_135, %parallel_loop3A_141, %parallel_loop3A_147, %parallel_loop3A_153, %parallel_loop3A_159, %parallel_loop3A_165 : vector<16xf32>, vector<16xf32>, vector<16xf32>, vector<16xf32>, vector<16xf32>, vector<16xf32>, vector<16xf32>, vector<16xf32>
    } {sc.loop_unroll_factor = 4 : i64, sc.parallel_access}
    %dma_wait3A_87 = tpu.memref_slice %arg2[%add3A_78] : memref<8388608xf32, #tpu.memory_space<hbm>> -> memref<32768xf32, #tpu.memory_space<hbm>>
    %dma_wait3A_88 = tpu.memref_slice %arg2[%add3A_78] : memref<8388608xf32, #tpu.memory_space<hbm>> -> memref<32768xf32, #tpu.memory_space<hbm>>
    tpu.wait_dma2 semaphore(%arg11 : memref<!tpu.dma_semaphore, #tpu.memory_space<semaphore_mem>>) src(%dma_wait3A_88 : memref<32768xf32, #tpu.memory_space<hbm>>) dst(%arg5 : memref<32768xf32, #tpu.memory_space<vmem>>)
    %parallel_loop3A_89 = arith.constant 0 : i32
    %parallel_loop3A_90 = arith.constant 256 : i32
    %parallel_loop3A_91 = arith.constant 1 : i32
    %parallel_loop3A_92:8 = scf.for %parallel_loop3A_107 = %parallel_loop3A_89 to %parallel_loop3A_90 step %parallel_loop3A_91 iter_args(%parallel_loop3A_108 = %parallel_loop3A_86#0, %parallel_loop3A_109 = %parallel_loop3A_86#1, %parallel_loop3A_110 = %parallel_loop3A_86#2, %parallel_loop3A_111 = %parallel_loop3A_86#3, %parallel_loop3A_112 = %parallel_loop3A_86#4, %parallel_loop3A_113 = %parallel_loop3A_86#5, %parallel_loop3A_114 = %parallel_loop3A_86#6, %parallel_loop3A_115 = %parallel_loop3A_86#7) -> (vector<16xf32>, vector<16xf32>, vector<16xf32>, vector<16xf32>, vector<16xf32>, vector<16xf32>, vector<16xf32>, vector<16xf32>)  : i32 {
      %parallel_loop3A_116 = arith.constant 128 : i32
      %parallel_loop3A_117 = arith.muli %parallel_loop3A_107, %parallel_loop3A_116 : i32
      %parallel_loop3A_118 = arith.constant 0 : i32
      %parallel_loop3A_119 = arith.addi %parallel_loop3A_117, %parallel_loop3A_118 : i32
      %parallel_loop3A_120 = arith.index_cast %parallel_loop3A_119 : i32 to index
      %parallel_loop3A_121 = tpu.vector_load %arg5[%parallel_loop3A_120] {strides = array<i32>} : memref<32768xf32, #tpu.memory_space<vmem>>, vector<16xf32>,
      %parallel_loop3A_122 = vector.shape_cast %parallel_loop3A_121 : vector<16xf32> to vector<16xf32>
      %parallel_loop3A_123 = arith.addf %parallel_loop3A_108, %parallel_loop3A_122 : vector<16xf32>
      %parallel_loop3A_124 = arith.constant 16 : i32
      %parallel_loop3A_125 = arith.addi %parallel_loop3A_117, %parallel_loop3A_124 : i32
      %parallel_loop3A_126 = arith.index_cast %parallel_loop3A_125 : i32 to index
      %parallel_loop3A_127 = tpu.vector_load %arg5[%parallel_loop3A_126] {strides = array<i32>} : memref<32768xf32, #tpu.memory_space<vmem>>, vector<16xf32>,
      %parallel_loop3A_128 = vector.shape_cast %parallel_loop3A_127 : vector<16xf32> to vector<16xf32>
      %parallel_loop3A_129 = arith.addf %parallel_loop3A_109, %parallel_loop3A_128 : vector<16xf32>
      %parallel_loop3A_130 = arith.constant 32 : i32
      %parallel_loop3A_131 = arith.addi %parallel_loop3A_117, %parallel_loop3A_130 : i32
      %parallel_loop3A_132 = arith.index_cast %parallel_loop3A_131 : i32 to index
      %parallel_loop3A_133 = tpu.vector_load %arg5[%parallel_loop3A_132] {strides = array<i32>} : memref<32768xf32, #tpu.memory_space<vmem>>, vector<16xf32>,
      %parallel_loop3A_134 = vector.shape_cast %parallel_loop3A_133 : vector<16xf32> to vector<16xf32>
      %parallel_loop3A_135 = arith.addf %parallel_loop3A_110, %parallel_loop3A_134 : vector<16xf32>
      %parallel_loop3A_136 = arith.constant 48 : i32
      %parallel_loop3A_137 = arith.addi %parallel_loop3A_117, %parallel_loop3A_136 : i32
      %parallel_loop3A_138 = arith.index_cast %parallel_loop3A_137 : i32 to index
      %parallel_loop3A_139 = tpu.vector_load %arg5[%parallel_loop3A_138] {strides = array<i32>} : memref<32768xf32, #tpu.memory_space<vmem>>, vector<16xf32>,
      %parallel_loop3A_140 = vector.shape_cast %parallel_loop3A_139 : vector<16xf32> to vector<16xf32>
      %parallel_loop3A_141 = arith.addf %parallel_loop3A_111, %parallel_loop3A_140 : vector<16xf32>
      %parallel_loop3A_142 = arith.constant 64 : i32
      %parallel_loop3A_143 = arith.addi %parallel_loop3A_117, %parallel_loop3A_142 : i32
      %parallel_loop3A_144 = arith.index_cast %parallel_loop3A_143 : i32 to index
      %parallel_loop3A_145 = tpu.vector_load %arg5[%parallel_loop3A_144] {strides = array<i32>} : memref<32768xf32, #tpu.memory_space<vmem>>, vector<16xf32>,
      %parallel_loop3A_146 = vector.shape_cast %parallel_loop3A_145 : vector<16xf32> to vector<16xf32>
      %parallel_loop3A_147 = arith.addf %parallel_loop3A_112, %parallel_loop3A_146 : vector<16xf32>
      %parallel_loop3A_148 = arith.constant 80 : i32
      %parallel_loop3A_149 = arith.addi %parallel_loop3A_117, %parallel_loop3A_148 : i32
      %parallel_loop3A_150 = arith.index_cast %parallel_loop3A_149 : i32 to index
      %parallel_loop3A_151 = tpu.vector_load %arg5[%parallel_loop3A_150] {strides = array<i32>} : memref<32768xf32, #tpu.memory_space<vmem>>, vector<16xf32>,
      %parallel_loop3A_152 = vector.shape_cast %parallel_loop3A_151 : vector<16xf32> to vector<16xf32>
      %parallel_loop3A_153 = arith.addf %parallel_loop3A_113, %parallel_loop3A_152 : vector<16xf32>
      %parallel_loop3A_154 = arith.constant 96 : i32
      %parallel_loop3A_155 = arith.addi %parallel_loop3A_117, %parallel_loop3A_154 : i32
      %parallel_loop3A_156 = arith.index_cast %parallel_loop3A_155 : i32 to index
      %parallel_loop3A_157 = tpu.vector_load %arg5[%parallel_loop3A_156] {strides = array<i32>} : memref<32768xf32, #tpu.memory_space<vmem>>, vector<16xf32>,
      %parallel_loop3A_158 = vector.shape_cast %parallel_loop3A_157 : vector<16xf32> to vector<16xf32>
      %parallel_loop3A_159 = arith.addf %parallel_loop3A_114, %parallel_loop3A_158 : vector<16xf32>
      %parallel_loop3A_160 = arith.constant 112 : i32
      %parallel_loop3A_161 = arith.addi %parallel_loop3A_117, %parallel_loop3A_160 : i32
      %parallel_loop3A_162 = arith.index_cast %parallel_loop3A_161 : i32 to index
      %parallel_loop3A_163 = tpu.vector_load %arg5[%parallel_loop3A_162] {strides = array<i32>} : memref<32768xf32, #tpu.memory_space<vmem>>, vector<16xf32>,
      %parallel_loop3A_164 = vector.shape_cast %parallel_loop3A_163 : vector<16xf32> to vector<16xf32>
      %parallel_loop3A_165 = arith.addf %parallel_loop3A_115, %parallel_loop3A_164 : vector<16xf32>
      scf.yield %parallel_loop3A_123, %parallel_loop3A_129, %parallel_loop3A_135, %parallel_loop3A_141, %parallel_loop3A_147, %parallel_loop3A_153, %parallel_loop3A_159, %parallel_loop3A_165 : vector<16xf32>, vector<16xf32>, vector<16xf32>, vector<16xf32>, vector<16xf32>, vector<16xf32>, vector<16xf32>, vector<16xf32>
    } {sc.loop_unroll_factor = 4 : i64, sc.parallel_access}
    %add3A_93 = arith.addf %parallel_loop3A_92#0, %parallel_loop3A_92#1 : vector<16xf32>
    %add3A_94 = arith.addf %add3A_93, %parallel_loop3A_92#2 : vector<16xf32>
    %add3A_95 = arith.addf %add3A_94, %parallel_loop3A_92#3 : vector<16xf32>
    %add3A_96 = arith.addf %add3A_95, %parallel_loop3A_92#4 : vector<16xf32>
    %add3A_97 = arith.addf %add3A_96, %parallel_loop3A_92#5 : vector<16xf32>
    %add3A_98 = arith.addf %add3A_97, %parallel_loop3A_92#6 : vector<16xf32>
    %add3A_99 = arith.addf %add3A_98, %parallel_loop3A_92#7 : vector<16xf32>
    %swap3A = arith.constant 0 : index
    %swap3A_100 = tpu.vector_load %arg6[%swap3A] {strides = array<i32>} : memref<16xf32, #tpu.memory_space<vmem>>, vector<16xf32>,
    %swap3A_101 = vector.shape_cast %swap3A_100 : vector<16xf32> to vector<16xf32>
    %swap3A_102 = vector.shape_cast %add3A_99 : vector<16xf32> to vector<16xf32>
    tpu.vector_store %arg6[%swap3A], %swap3A_102 {strides = array<i32>} : memref<16xf32, #tpu.memory_space<vmem>>, vector<16xf32>,
    %mul3A_103 = arith.constant 16 : i32
    %mul3A_104 = arith.muli %arg1, %mul3A_103 : i32
    "tpu.region"() ({
      %run_scoped3A = tpu.sem_alloc : memref<!tpu.dma_semaphore, #tpu.memory_space<semaphore_mem>>
      %dma_start3A_107 = tpu.memref_slice %arg9[%mul3A_104] : memref<256xf32, #tpu.memory_space<vmem_shared>> -> memref<16xf32, #tpu.memory_space<vmem_shared>>
      %dma_start3A_108 = tpu.memref_slice %arg9[%mul3A_104] : memref<256xf32, #tpu.memory_space<vmem_shared>> -> memref<16xf32, #tpu.memory_space<vmem_shared>>
      tpu.enqueue_dma source(%arg6 : memref<16xf32, #tpu.memory_space<vmem>>) target(%dma_start3A_108 : memref<16xf32, #tpu.memory_space<vmem_shared>>) target_semaphore(%run_scoped3A : memref<!tpu.dma_semaphore, #tpu.memory_space<semaphore_mem>>)
      %dma_wait3A_109 = tpu.memref_slice %arg9[%mul3A_104] : memref<256xf32, #tpu.memory_space<vmem_shared>> -> memref<16xf32, #tpu.memory_space<vmem_shared>>
      %dma_wait3A_110 = tpu.memref_slice %arg9[%mul3A_104] : memref<256xf32, #tpu.memory_space<vmem_shared>> -> memref<16xf32, #tpu.memory_space<vmem_shared>>
      tpu.wait_dma2 semaphore(%run_scoped3A : memref<!tpu.dma_semaphore, #tpu.memory_space<semaphore_mem>>) src(%arg6 : memref<16xf32, #tpu.memory_space<vmem>>) dst(%dma_wait3A_110 : memref<16xf32, #tpu.memory_space<vmem_shared>>)
      tpu.yield
    }) : () -> ()
    %barrier3A = arith.constant 0 : index
    tpu.barrier barrier_id(%barrier3A)
    %eq3A = arith.constant 0 : i32
    %eq3A_105 = arith.cmpi eq, %arg1, %eq3A : i32
    %convert_element_type3A = arith.extui %eq3A_105 : i1 to i32
    %cond3A = arith.constant 0 : i32
    %cond3A_106 = arith.cmpi ne, %convert_element_type3A, %cond3A : i32
    scf.if %cond3A_106 {
      "tpu.region"() ({
        %run_scoped3A = tpu.sem_alloc : memref<!tpu.dma_semaphore, #tpu.memory_space<semaphore_mem>>
        tpu.enqueue_dma source(%arg9 : memref<256xf32, #tpu.memory_space<vmem_shared>>) target(%arg7 : memref<256xf32, #tpu.memory_space<vmem>>) target_semaphore(%run_scoped3A : memref<!tpu.dma_semaphore, #tpu.memory_space<semaphore_mem>>)
        tpu.wait_dma2 semaphore(%run_scoped3A : memref<!tpu.dma_semaphore, #tpu.memory_space<semaphore_mem>>) src(%arg9 : memref<256xf32, #tpu.memory_space<vmem_shared>>) dst(%arg7 : memref<256xf32, #tpu.memory_space<vmem>>)
        tpu.yield
      }) : () -> ()
      %iota3A = tpu.iota {dimensions = array<i32: 0>} : vector<16xi32>
      %broadcast_in_dim3A_107 = arith.constant 0.000000e+00 : f32
      %broadcast_in_dim3A_108 = vector.broadcast %broadcast_in_dim3A_107 : f32 to vector<16xf32>
      %get3A = arith.constant 0 : index
      %get3A_109 = tpu.vector_load %arg7[%get3A] {strides = array<i32>} : memref<256xf32, #tpu.memory_space<vmem>>, vector<16xf32>,
      %get3A_110 = vector.shape_cast %get3A_109 : vector<16xf32> to vector<16xf32>
      %get3A_111 = arith.constant 16 : index
      %get3A_112 = tpu.vector_load %arg7[%get3A_111] {strides = array<i32>} : memref<256xf32, #tpu.memory_space<vmem>>, vector<16xf32>,
      %get3A_113 = vector.shape_cast %get3A_112 : vector<16xf32> to vector<16xf32>
      %add3A_114 = arith.addf %get3A_110, %get3A_113 : vector<16xf32>
      %get3A_115 = arith.constant 32 : index
      %get3A_116 = tpu.vector_load %arg7[%get3A_115] {strides = array<i32>} : memref<256xf32, #tpu.memory_space<vmem>>, vector<16xf32>,
      %get3A_117 = vector.shape_cast %get3A_116 : vector<16xf32> to vector<16xf32>
      %add3A_118 = arith.addf %add3A_114, %get3A_117 : vector<16xf32>
      %get3A_119 = arith.constant 48 : index
      %get3A_120 = tpu.vector_load %arg7[%get3A_119] {strides = array<i32>} : memref<256xf32, #tpu.memory_space<vmem>>, vector<16xf32>,
      %get3A_121 = vector.shape_cast %get3A_120 : vector<16xf32> to vector<16xf32>
      %add3A_122 = arith.addf %add3A_118, %get3A_121 : vector<16xf32>
      %xor3A = arith.constant 8 : i32
      %xor3A_123 = vector.broadcast %xor3A : i32 to vector<16xi32>
      %xor3A_124 = arith.xori %iota3A, %xor3A_123 : vector<16xi32>
      %lt3A = arith.constant 0 : i32
      %lt3A_125 = vector.broadcast %lt3A : i32 to vector<16xi32>
      %lt3A_126 = arith.cmpi slt, %xor3A_124, %lt3A_125 : vector<16xi32>
      %add3A_127 = arith.constant 16 : i32
      %add3A_128 = vector.broadcast %add3A_127 : i32 to vector<16xi32>
      %add3A_129 = arith.addi %xor3A_124, %add3A_128 : vector<16xi32>
      %select_n3A = arith.select %lt3A_126, %add3A_129, %xor3A_124 : vector<16xi1>, vector<16xi32>
      %broadcast_in_dim3A_130 = vector.shape_cast %select_n3A : vector<16xi32> to vector<16x1xi32>
      %gather3A = vector.shape_cast %broadcast_in_dim3A_130 : vector<16x1xi32> to vector<16xi32>
      %gather3A_131 = tpu.dynamic_gather %add3A_122[%gather3A] in [0] : vector<16xf32>, vector<16xi32> -> vector<16xf32>
      %add3A_132 = arith.addf %add3A_122, %gather3A_131 : vector<16xf32>
      %xor3A_133 = arith.constant 4 : i32
      %xor3A_134 = vector.broadcast %xor3A_133 : i32 to vector<16xi32>
      %xor3A_135 = arith.xori %iota3A, %xor3A_134 : vector<16xi32>
      %lt3A_136 = arith.constant 0 : i32
      %lt3A_137 = vector.broadcast %lt3A_136 : i32 to vector<16xi32>
      %lt3A_138 = arith.cmpi slt, %xor3A_135, %lt3A_137 : vector<16xi32>
      %add3A_139 = arith.constant 16 : i32
      %add3A_140 = vector.broadcast %add3A_139 : i32 to vector<16xi32>
      %add3A_141 = arith.addi %xor3A_135, %add3A_140 : vector<16xi32>
      %select_n3A_142 = arith.select %lt3A_138, %add3A_141, %xor3A_135 : vector<16xi1>, vector<16xi32>
      %broadcast_in_dim3A_143 = vector.shape_cast %select_n3A_142 : vector<16xi32> to vector<16x1xi32>
      %gather3A_144 = vector.shape_cast %broadcast_in_dim3A_143 : vector<16x1xi32> to vector<16xi32>
      %gather3A_145 = tpu.dynamic_gather %add3A_132[%gather3A_144] in [0] : vector<16xf32>, vector<16xi32> -> vector<16xf32>
      %add3A_146 = arith.addf %add3A_132, %gather3A_145 : vector<16xf32>
      %xor3A_147 = arith.constant 2 : i32
      %xor3A_148 = vector.broadcast %xor3A_147 : i32 to vector<16xi32>
      %xor3A_149 = arith.xori %iota3A, %xor3A_148 : vector<16xi32>
      %lt3A_150 = arith.constant 0 : i32
      %lt3A_151 = vector.broadcast %lt3A_150 : i32 to vector<16xi32>
      %lt3A_152 = arith.cmpi slt, %xor3A_149, %lt3A_151 : vector<16xi32>
      %add3A_153 = arith.constant 16 : i32
      %add3A_154 = vector.broadcast %add3A_153 : i32 to vector<16xi32>
      %add3A_155 = arith.addi %xor3A_149, %add3A_154 : vector<16xi32>
      %select_n3A_156 = arith.select %lt3A_152, %add3A_155, %xor3A_149 : vector<16xi1>, vector<16xi32>
      %broadcast_in_dim3A_157 = vector.shape_cast %select_n3A_156 : vector<16xi32> to vector<16x1xi32>
      %gather3A_158 = vector.shape_cast %broadcast_in_dim3A_157 : vector<16x1xi32> to vector<16xi32>
      %gather3A_159 = tpu.dynamic_gather %add3A_146[%gather3A_158] in [0] : vector<16xf32>, vector<16xi32> -> vector<16xf32>
      %add3A_160 = arith.addf %add3A_146, %gather3A_159 : vector<16xf32>
      %xor3A_161 = arith.constant 1 : i32
      %xor3A_162 = vector.broadcast %xor3A_161 : i32 to vector<16xi32>
      %xor3A_163 = arith.xori %iota3A, %xor3A_162 : vector<16xi32>
      %lt3A_164 = arith.constant 0 : i32
      %lt3A_165 = vector.broadcast %lt3A_164 : i32 to vector<16xi32>
      %lt3A_166 = arith.cmpi slt, %xor3A_163, %lt3A_165 : vector<16xi32>
      %add3A_167 = arith.constant 16 : i32
      %add3A_168 = vector.broadcast %add3A_167 : i32 to vector<16xi32>
      %add3A_169 = arith.addi %xor3A_163, %add3A_168 : vector<16xi32>
      %select_n3A_170 = arith.select %lt3A_166, %add3A_169, %xor3A_163 : vector<16xi1>, vector<16xi32>
      %broadcast_in_dim3A_171 = vector.shape_cast %select_n3A_170 : vector<16xi32> to vector<16x1xi32>
      %gather3A_172 = vector.shape_cast %broadcast_in_dim3A_171 : vector<16x1xi32> to vector<16xi32>
      %gather3A_173 = tpu.dynamic_gather %add3A_160[%gather3A_172] in [0] : vector<16xf32>, vector<16xi32> -> vector<16xf32>
      %add3A_174 = arith.addf %add3A_160, %gather3A_173 : vector<16xf32>
      %eq3A_175 = arith.constant 0 : i32
      %eq3A_176 = vector.broadcast %eq3A_175 : i32 to vector<16xi32>
      %eq3A_177 = arith.cmpi eq, %iota3A, %eq3A_176 : vector<16xi32>
      %select_n3A_178 = arith.select %eq3A_177, %add3A_174, %broadcast_in_dim3A_108 : vector<16xi1>, vector<16xf32>
      %get3A_179 = arith.constant 64 : index
      %get3A_180 = tpu.vector_load %arg7[%get3A_179] {strides = array<i32>} : memref<256xf32, #tpu.memory_space<vmem>>, vector<16xf32>,
      %get3A_181 = vector.shape_cast %get3A_180 : vector<16xf32> to vector<16xf32>
      %get3A_182 = arith.constant 80 : index
      %get3A_183 = tpu.vector_load %arg7[%get3A_182] {strides = array<i32>} : memref<256xf32, #tpu.memory_space<vmem>>, vector<16xf32>,
      %get3A_184 = vector.shape_cast %get3A_183 : vector<16xf32> to vector<16xf32>
      %add3A_185 = arith.addf %get3A_181, %get3A_184 : vector<16xf32>
      %get3A_186 = arith.constant 96 : index
      %get3A_187 = tpu.vector_load %arg7[%get3A_186] {strides = array<i32>} : memref<256xf32, #tpu.memory_space<vmem>>, vector<16xf32>,
      %get3A_188 = vector.shape_cast %get3A_187 : vector<16xf32> to vector<16xf32>
      %add3A_189 = arith.addf %add3A_185, %get3A_188 : vector<16xf32>
      %get3A_190 = arith.constant 112 : index
      %get3A_191 = tpu.vector_load %arg7[%get3A_190] {strides = array<i32>} : memref<256xf32, #tpu.memory_space<vmem>>, vector<16xf32>,
      %get3A_192 = vector.shape_cast %get3A_191 : vector<16xf32> to vector<16xf32>
      %add3A_193 = arith.addf %add3A_189, %get3A_192 : vector<16xf32>
      %xor3A_194 = arith.constant 8 : i32
      %xor3A_195 = vector.broadcast %xor3A_194 : i32 to vector<16xi32>
      %xor3A_196 = arith.xori %iota3A, %xor3A_195 : vector<16xi32>
      %lt3A_197 = arith.constant 0 : i32
      %lt3A_198 = vector.broadcast %lt3A_197 : i32 to vector<16xi32>
      %lt3A_199 = arith.cmpi slt, %xor3A_196, %lt3A_198 : vector<16xi32>
      %add3A_200 = arith.constant 16 : i32
      %add3A_201 = vector.broadcast %add3A_200 : i32 to vector<16xi32>
      %add3A_202 = arith.addi %xor3A_196, %add3A_201 : vector<16xi32>
      %select_n3A_203 = arith.select %lt3A_199, %add3A_202, %xor3A_196 : vector<16xi1>, vector<16xi32>
      %broadcast_in_dim3A_204 = vector.shape_cast %select_n3A_203 : vector<16xi32> to vector<16x1xi32>
      %gather3A_205 = vector.shape_cast %broadcast_in_dim3A_204 : vector<16x1xi32> to vector<16xi32>
      %gather3A_206 = tpu.dynamic_gather %add3A_193[%gather3A_205] in [0] : vector<16xf32>, vector<16xi32> -> vector<16xf32>
      %add3A_207 = arith.addf %add3A_193, %gather3A_206 : vector<16xf32>
      %xor3A_208 = arith.constant 4 : i32
      %xor3A_209 = vector.broadcast %xor3A_208 : i32 to vector<16xi32>
      %xor3A_210 = arith.xori %iota3A, %xor3A_209 : vector<16xi32>
      %lt3A_211 = arith.constant 0 : i32
      %lt3A_212 = vector.broadcast %lt3A_211 : i32 to vector<16xi32>
      %lt3A_213 = arith.cmpi slt, %xor3A_210, %lt3A_212 : vector<16xi32>
      %add3A_214 = arith.constant 16 : i32
      %add3A_215 = vector.broadcast %add3A_214 : i32 to vector<16xi32>
      %add3A_216 = arith.addi %xor3A_210, %add3A_215 : vector<16xi32>
      %select_n3A_217 = arith.select %lt3A_213, %add3A_216, %xor3A_210 : vector<16xi1>, vector<16xi32>
      %broadcast_in_dim3A_218 = vector.shape_cast %select_n3A_217 : vector<16xi32> to vector<16x1xi32>
      %gather3A_219 = vector.shape_cast %broadcast_in_dim3A_218 : vector<16x1xi32> to vector<16xi32>
      %gather3A_220 = tpu.dynamic_gather %add3A_207[%gather3A_219] in [0] : vector<16xf32>, vector<16xi32> -> vector<16xf32>
      %add3A_221 = arith.addf %add3A_207, %gather3A_220 : vector<16xf32>
      %xor3A_222 = arith.constant 2 : i32
      %xor3A_223 = vector.broadcast %xor3A_222 : i32 to vector<16xi32>
      %xor3A_224 = arith.xori %iota3A, %xor3A_223 : vector<16xi32>
      %lt3A_225 = arith.constant 0 : i32
      %lt3A_226 = vector.broadcast %lt3A_225 : i32 to vector<16xi32>
      %lt3A_227 = arith.cmpi slt, %xor3A_224, %lt3A_226 : vector<16xi32>
      %add3A_228 = arith.constant 16 : i32
      %add3A_229 = vector.broadcast %add3A_228 : i32 to vector<16xi32>
      %add3A_230 = arith.addi %xor3A_224, %add3A_229 : vector<16xi32>
      %select_n3A_231 = arith.select %lt3A_227, %add3A_230, %xor3A_224 : vector<16xi1>, vector<16xi32>
      %broadcast_in_dim3A_232 = vector.shape_cast %select_n3A_231 : vector<16xi32> to vector<16x1xi32>
      %gather3A_233 = vector.shape_cast %broadcast_in_dim3A_232 : vector<16x1xi32> to vector<16xi32>
      %gather3A_234 = tpu.dynamic_gather %add3A_221[%gather3A_233] in [0] : vector<16xf32>, vector<16xi32> -> vector<16xf32>
      %add3A_235 = arith.addf %add3A_221, %gather3A_234 : vector<16xf32>
      %xor3A_236 = arith.constant 1 : i32
      %xor3A_237 = vector.broadcast %xor3A_236 : i32 to vector<16xi32>
      %xor3A_238 = arith.xori %iota3A, %xor3A_237 : vector<16xi32>
      %lt3A_239 = arith.constant 0 : i32
      %lt3A_240 = vector.broadcast %lt3A_239 : i32 to vector<16xi32>
      %lt3A_241 = arith.cmpi slt, %xor3A_238, %lt3A_240 : vector<16xi32>
      %add3A_242 = arith.constant 16 : i32
      %add3A_243 = vector.broadcast %add3A_242 : i32 to vector<16xi32>
      %add3A_244 = arith.addi %xor3A_238, %add3A_243 : vector<16xi32>
      %select_n3A_245 = arith.select %lt3A_241, %add3A_244, %xor3A_238 : vector<16xi1>, vector<16xi32>
      %broadcast_in_dim3A_246 = vector.shape_cast %select_n3A_245 : vector<16xi32> to vector<16x1xi32>
      %gather3A_247 = vector.shape_cast %broadcast_in_dim3A_246 : vector<16x1xi32> to vector<16xi32>
      %gather3A_248 = tpu.dynamic_gather %add3A_235[%gather3A_247] in [0] : vector<16xf32>, vector<16xi32> -> vector<16xf32>
      %add3A_249 = arith.addf %add3A_235, %gather3A_248 : vector<16xf32>
      %eq3A_250 = arith.constant 1 : i32
      %eq3A_251 = vector.broadcast %eq3A_250 : i32 to vector<16xi32>
      %eq3A_252 = arith.cmpi eq, %iota3A, %eq3A_251 : vector<16xi32>
      %select_n3A_253 = arith.select %eq3A_252, %add3A_249, %select_n3A_178 : vector<16xi1>, vector<16xf32>
      %get3A_254 = arith.constant 128 : index
      %get3A_255 = tpu.vector_load %arg7[%get3A_254] {strides = array<i32>} : memref<256xf32, #tpu.memory_space<vmem>>, vector<16xf32>,
      %get3A_256 = vector.shape_cast %get3A_255 : vector<16xf32> to vector<16xf32>
      %get3A_257 = arith.constant 144 : index
      %get3A_258 = tpu.vector_load %arg7[%get3A_257] {strides = array<i32>} : memref<256xf32, #tpu.memory_space<vmem>>, vector<16xf32>,
      %get3A_259 = vector.shape_cast %get3A_258 : vector<16xf32> to vector<16xf32>
      %add3A_260 = arith.addf %get3A_256, %get3A_259 : vector<16xf32>
      %get3A_261 = arith.constant 160 : index
      %get3A_262 = tpu.vector_load %arg7[%get3A_261] {strides = array<i32>} : memref<256xf32, #tpu.memory_space<vmem>>, vector<16xf32>,
      %get3A_263 = vector.shape_cast %get3A_262 : vector<16xf32> to vector<16xf32>
      %add3A_264 = arith.addf %add3A_260, %get3A_263 : vector<16xf32>
      %get3A_265 = arith.constant 176 : index
      %get3A_266 = tpu.vector_load %arg7[%get3A_265] {strides = array<i32>} : memref<256xf32, #tpu.memory_space<vmem>>, vector<16xf32>,
      %get3A_267 = vector.shape_cast %get3A_266 : vector<16xf32> to vector<16xf32>
      %add3A_268 = arith.addf %add3A_264, %get3A_267 : vector<16xf32>
      %xor3A_269 = arith.constant 8 : i32
      %xor3A_270 = vector.broadcast %xor3A_269 : i32 to vector<16xi32>
      %xor3A_271 = arith.xori %iota3A, %xor3A_270 : vector<16xi32>
      %lt3A_272 = arith.constant 0 : i32
      %lt3A_273 = vector.broadcast %lt3A_272 : i32 to vector<16xi32>
      %lt3A_274 = arith.cmpi slt, %xor3A_271, %lt3A_273 : vector<16xi32>
      %add3A_275 = arith.constant 16 : i32
      %add3A_276 = vector.broadcast %add3A_275 : i32 to vector<16xi32>
      %add3A_277 = arith.addi %xor3A_271, %add3A_276 : vector<16xi32>
      %select_n3A_278 = arith.select %lt3A_274, %add3A_277, %xor3A_271 : vector<16xi1>, vector<16xi32>
      %broadcast_in_dim3A_279 = vector.shape_cast %select_n3A_278 : vector<16xi32> to vector<16x1xi32>
      %gather3A_280 = vector.shape_cast %broadcast_in_dim3A_279 : vector<16x1xi32> to vector<16xi32>
      %gather3A_281 = tpu.dynamic_gather %add3A_268[%gather3A_280] in [0] : vector<16xf32>, vector<16xi32> -> vector<16xf32>
      %add3A_282 = arith.addf %add3A_268, %gather3A_281 : vector<16xf32>
      %xor3A_283 = arith.constant 4 : i32
      %xor3A_284 = vector.broadcast %xor3A_283 : i32 to vector<16xi32>
      %xor3A_285 = arith.xori %iota3A, %xor3A_284 : vector<16xi32>
      %lt3A_286 = arith.constant 0 : i32
      %lt3A_287 = vector.broadcast %lt3A_286 : i32 to vector<16xi32>
      %lt3A_288 = arith.cmpi slt, %xor3A_285, %lt3A_287 : vector<16xi32>
      %add3A_289 = arith.constant 16 : i32
      %add3A_290 = vector.broadcast %add3A_289 : i32 to vector<16xi32>
      %add3A_291 = arith.addi %xor3A_285, %add3A_290 : vector<16xi32>
      %select_n3A_292 = arith.select %lt3A_288, %add3A_291, %xor3A_285 : vector<16xi1>, vector<16xi32>
      %broadcast_in_dim3A_293 = vector.shape_cast %select_n3A_292 : vector<16xi32> to vector<16x1xi32>
      %gather3A_294 = vector.shape_cast %broadcast_in_dim3A_293 : vector<16x1xi32> to vector<16xi32>
      %gather3A_295 = tpu.dynamic_gather %add3A_282[%gather3A_294] in [0] : vector<16xf32>, vector<16xi32> -> vector<16xf32>
      %add3A_296 = arith.addf %add3A_282, %gather3A_295 : vector<16xf32>
      %xor3A_297 = arith.constant 2 : i32
      %xor3A_298 = vector.broadcast %xor3A_297 : i32 to vector<16xi32>
      %xor3A_299 = arith.xori %iota3A, %xor3A_298 : vector<16xi32>
      %lt3A_300 = arith.constant 0 : i32
      %lt3A_301 = vector.broadcast %lt3A_300 : i32 to vector<16xi32>
      %lt3A_302 = arith.cmpi slt, %xor3A_299, %lt3A_301 : vector<16xi32>
      %add3A_303 = arith.constant 16 : i32
      %add3A_304 = vector.broadcast %add3A_303 : i32 to vector<16xi32>
      %add3A_305 = arith.addi %xor3A_299, %add3A_304 : vector<16xi32>
      %select_n3A_306 = arith.select %lt3A_302, %add3A_305, %xor3A_299 : vector<16xi1>, vector<16xi32>
      %broadcast_in_dim3A_307 = vector.shape_cast %select_n3A_306 : vector<16xi32> to vector<16x1xi32>
      %gather3A_308 = vector.shape_cast %broadcast_in_dim3A_307 : vector<16x1xi32> to vector<16xi32>
      %gather3A_309 = tpu.dynamic_gather %add3A_296[%gather3A_308] in [0] : vector<16xf32>, vector<16xi32> -> vector<16xf32>
      %add3A_310 = arith.addf %add3A_296, %gather3A_309 : vector<16xf32>
      %xor3A_311 = arith.constant 1 : i32
      %xor3A_312 = vector.broadcast %xor3A_311 : i32 to vector<16xi32>
      %xor3A_313 = arith.xori %iota3A, %xor3A_312 : vector<16xi32>
      %lt3A_314 = arith.constant 0 : i32
      %lt3A_315 = vector.broadcast %lt3A_314 : i32 to vector<16xi32>
      %lt3A_316 = arith.cmpi slt, %xor3A_313, %lt3A_315 : vector<16xi32>
      %add3A_317 = arith.constant 16 : i32
      %add3A_318 = vector.broadcast %add3A_317 : i32 to vector<16xi32>
      %add3A_319 = arith.addi %xor3A_313, %add3A_318 : vector<16xi32>
      %select_n3A_320 = arith.select %lt3A_316, %add3A_319, %xor3A_313 : vector<16xi1>, vector<16xi32>
      %broadcast_in_dim3A_321 = vector.shape_cast %select_n3A_320 : vector<16xi32> to vector<16x1xi32>
      %gather3A_322 = vector.shape_cast %broadcast_in_dim3A_321 : vector<16x1xi32> to vector<16xi32>
      %gather3A_323 = tpu.dynamic_gather %add3A_310[%gather3A_322] in [0] : vector<16xf32>, vector<16xi32> -> vector<16xf32>
      %add3A_324 = arith.addf %add3A_310, %gather3A_323 : vector<16xf32>
      %eq3A_325 = arith.constant 2 : i32
      %eq3A_326 = vector.broadcast %eq3A_325 : i32 to vector<16xi32>
      %eq3A_327 = arith.cmpi eq, %iota3A, %eq3A_326 : vector<16xi32>
      %select_n3A_328 = arith.select %eq3A_327, %add3A_324, %select_n3A_253 : vector<16xi1>, vector<16xf32>
      %get3A_329 = arith.constant 192 : index
      %get3A_330 = tpu.vector_load %arg7[%get3A_329] {strides = array<i32>} : memref<256xf32, #tpu.memory_space<vmem>>, vector<16xf32>,
      %get3A_331 = vector.shape_cast %get3A_330 : vector<16xf32> to vector<16xf32>
      %get3A_332 = arith.constant 208 : index
      %get3A_333 = tpu.vector_load %arg7[%get3A_332] {strides = array<i32>} : memref<256xf32, #tpu.memory_space<vmem>>, vector<16xf32>,
      %get3A_334 = vector.shape_cast %get3A_333 : vector<16xf32> to vector<16xf32>
      %add3A_335 = arith.addf %get3A_331, %get3A_334 : vector<16xf32>
      %get3A_336 = arith.constant 224 : index
      %get3A_337 = tpu.vector_load %arg7[%get3A_336] {strides = array<i32>} : memref<256xf32, #tpu.memory_space<vmem>>, vector<16xf32>,
      %get3A_338 = vector.shape_cast %get3A_337 : vector<16xf32> to vector<16xf32>
      %add3A_339 = arith.addf %add3A_335, %get3A_338 : vector<16xf32>
      %get3A_340 = arith.constant 240 : index
      %get3A_341 = tpu.vector_load %arg7[%get3A_340] {strides = array<i32>} : memref<256xf32, #tpu.memory_space<vmem>>, vector<16xf32>,
      %get3A_342 = vector.shape_cast %get3A_341 : vector<16xf32> to vector<16xf32>
      %add3A_343 = arith.addf %add3A_339, %get3A_342 : vector<16xf32>
      %xor3A_344 = arith.constant 8 : i32
      %xor3A_345 = vector.broadcast %xor3A_344 : i32 to vector<16xi32>
      %xor3A_346 = arith.xori %iota3A, %xor3A_345 : vector<16xi32>
      %lt3A_347 = arith.constant 0 : i32
      %lt3A_348 = vector.broadcast %lt3A_347 : i32 to vector<16xi32>
      %lt3A_349 = arith.cmpi slt, %xor3A_346, %lt3A_348 : vector<16xi32>
      %add3A_350 = arith.constant 16 : i32
      %add3A_351 = vector.broadcast %add3A_350 : i32 to vector<16xi32>
      %add3A_352 = arith.addi %xor3A_346, %add3A_351 : vector<16xi32>
      %select_n3A_353 = arith.select %lt3A_349, %add3A_352, %xor3A_346 : vector<16xi1>, vector<16xi32>
      %broadcast_in_dim3A_354 = vector.shape_cast %select_n3A_353 : vector<16xi32> to vector<16x1xi32>
      %gather3A_355 = vector.shape_cast %broadcast_in_dim3A_354 : vector<16x1xi32> to vector<16xi32>
      %gather3A_356 = tpu.dynamic_gather %add3A_343[%gather3A_355] in [0] : vector<16xf32>, vector<16xi32> -> vector<16xf32>
      %add3A_357 = arith.addf %add3A_343, %gather3A_356 : vector<16xf32>
      %xor3A_358 = arith.constant 4 : i32
      %xor3A_359 = vector.broadcast %xor3A_358 : i32 to vector<16xi32>
      %xor3A_360 = arith.xori %iota3A, %xor3A_359 : vector<16xi32>
      %lt3A_361 = arith.constant 0 : i32
      %lt3A_362 = vector.broadcast %lt3A_361 : i32 to vector<16xi32>
      %lt3A_363 = arith.cmpi slt, %xor3A_360, %lt3A_362 : vector<16xi32>
      %add3A_364 = arith.constant 16 : i32
      %add3A_365 = vector.broadcast %add3A_364 : i32 to vector<16xi32>
      %add3A_366 = arith.addi %xor3A_360, %add3A_365 : vector<16xi32>
      %select_n3A_367 = arith.select %lt3A_363, %add3A_366, %xor3A_360 : vector<16xi1>, vector<16xi32>
      %broadcast_in_dim3A_368 = vector.shape_cast %select_n3A_367 : vector<16xi32> to vector<16x1xi32>
      %gather3A_369 = vector.shape_cast %broadcast_in_dim3A_368 : vector<16x1xi32> to vector<16xi32>
      %gather3A_370 = tpu.dynamic_gather %add3A_357[%gather3A_369] in [0] : vector<16xf32>, vector<16xi32> -> vector<16xf32>
      %add3A_371 = arith.addf %add3A_357, %gather3A_370 : vector<16xf32>
      %xor3A_372 = arith.constant 2 : i32
      %xor3A_373 = vector.broadcast %xor3A_372 : i32 to vector<16xi32>
      %xor3A_374 = arith.xori %iota3A, %xor3A_373 : vector<16xi32>
      %lt3A_375 = arith.constant 0 : i32
      %lt3A_376 = vector.broadcast %lt3A_375 : i32 to vector<16xi32>
      %lt3A_377 = arith.cmpi slt, %xor3A_374, %lt3A_376 : vector<16xi32>
      %add3A_378 = arith.constant 16 : i32
      %add3A_379 = vector.broadcast %add3A_378 : i32 to vector<16xi32>
      %add3A_380 = arith.addi %xor3A_374, %add3A_379 : vector<16xi32>
      %select_n3A_381 = arith.select %lt3A_377, %add3A_380, %xor3A_374 : vector<16xi1>, vector<16xi32>
      %broadcast_in_dim3A_382 = vector.shape_cast %select_n3A_381 : vector<16xi32> to vector<16x1xi32>
      %gather3A_383 = vector.shape_cast %broadcast_in_dim3A_382 : vector<16x1xi32> to vector<16xi32>
      %gather3A_384 = tpu.dynamic_gather %add3A_371[%gather3A_383] in [0] : vector<16xf32>, vector<16xi32> -> vector<16xf32>
      %add3A_385 = arith.addf %add3A_371, %gather3A_384 : vector<16xf32>
      %xor3A_386 = arith.constant 1 : i32
      %xor3A_387 = vector.broadcast %xor3A_386 : i32 to vector<16xi32>
      %xor3A_388 = arith.xori %iota3A, %xor3A_387 : vector<16xi32>
      %lt3A_389 = arith.constant 0 : i32
      %lt3A_390 = vector.broadcast %lt3A_389 : i32 to vector<16xi32>
      %lt3A_391 = arith.cmpi slt, %xor3A_388, %lt3A_390 : vector<16xi32>
      %add3A_392 = arith.constant 16 : i32
      %add3A_393 = vector.broadcast %add3A_392 : i32 to vector<16xi32>
      %add3A_394 = arith.addi %xor3A_388, %add3A_393 : vector<16xi32>
      %select_n3A_395 = arith.select %lt3A_391, %add3A_394, %xor3A_388 : vector<16xi1>, vector<16xi32>
      %broadcast_in_dim3A_396 = vector.shape_cast %select_n3A_395 : vector<16xi32> to vector<16x1xi32>
      %gather3A_397 = vector.shape_cast %broadcast_in_dim3A_396 : vector<16x1xi32> to vector<16xi32>
      %gather3A_398 = tpu.dynamic_gather %add3A_385[%gather3A_397] in [0] : vector<16xf32>, vector<16xi32> -> vector<16xf32>
      %add3A_399 = arith.addf %add3A_385, %gather3A_398 : vector<16xf32>
      %eq3A_400 = arith.constant 3 : i32
      %eq3A_401 = vector.broadcast %eq3A_400 : i32 to vector<16xi32>
      %eq3A_402 = arith.cmpi eq, %iota3A, %eq3A_401 : vector<16xi32>
      %select_n3A_403 = arith.select %eq3A_402, %add3A_399, %select_n3A_328 : vector<16xi1>, vector<16xf32>
      %mul3A_404 = arith.constant 9.53674316E-7 : f32
      %mul3A_405 = vector.broadcast %mul3A_404 : f32 to vector<16xf32>
      %mul3A_406 = arith.mulf %select_n3A_403, %mul3A_405 : vector<16xf32>
      %swap3A_407 = arith.constant 0 : index
      %swap3A_408 = tpu.vector_load %arg8[%swap3A_407] {strides = array<i32>} : memref<16xf32, #tpu.memory_space<vmem>>, vector<16xf32>,
      %swap3A_409 = vector.shape_cast %swap3A_408 : vector<16xf32> to vector<16xf32>
      %swap3A_410 = vector.shape_cast %mul3A_406 : vector<16xf32> to vector<16xf32>
      tpu.vector_store %arg8[%swap3A_407], %swap3A_410 {strides = array<i32>} : memref<16xf32, #tpu.memory_space<vmem>>, vector<16xf32>,
      "tpu.region"() ({
        %run_scoped3A = tpu.sem_alloc : memref<!tpu.dma_semaphore, #tpu.memory_space<semaphore_mem>>
        %dma_start3A_411 = arith.constant 0 : i32
        %dma_start3A_412 = tpu.memref_slice %arg3[%arg0, %dma_start3A_411] : memref<2x16xf32, #tpu.memory_space<hbm>> -> memref<1x16xf32, #tpu.memory_space<hbm>>
        %dma_start3A_413 = tpu.memref_squeeze %dma_start3A_412 : memref<1x16xf32, #tpu.memory_space<hbm>> -> memref<16xf32, #tpu.memory_space<hbm>>
        %dma_start3A_414 = arith.constant 0 : i32
        %dma_start3A_415 = tpu.memref_slice %arg3[%arg0, %dma_start3A_414] : memref<2x16xf32, #tpu.memory_space<hbm>> -> memref<1x16xf32, #tpu.memory_space<hbm>>
        %dma_start3A_416 = tpu.memref_squeeze %dma_start3A_415 : memref<1x16xf32, #tpu.memory_space<hbm>> -> memref<16xf32, #tpu.memory_space<hbm>>
        tpu.enqueue_dma source(%arg8 : memref<16xf32, #tpu.memory_space<vmem>>) target(%dma_start3A_416 : memref<16xf32, #tpu.memory_space<hbm>>) target_semaphore(%run_scoped3A : memref<!tpu.dma_semaphore, #tpu.memory_space<semaphore_mem>>)
        %dma_wait3A_417 = arith.constant 0 : i32
        %dma_wait3A_418 = tpu.memref_slice %arg3[%arg0, %dma_wait3A_417] : memref<2x16xf32, #tpu.memory_space<hbm>> -> memref<1x16xf32, #tpu.memory_space<hbm>>
        %dma_wait3A_419 = tpu.memref_squeeze %dma_wait3A_418 : memref<1x16xf32, #tpu.memory_space<hbm>> -> memref<16xf32, #tpu.memory_space<hbm>>
        %dma_wait3A_420 = arith.constant 0 : i32
        %dma_wait3A_421 = tpu.memref_slice %arg3[%arg0, %dma_wait3A_420] : memref<2x16xf32, #tpu.memory_space<hbm>> -> memref<1x16xf32, #tpu.memory_space<hbm>>
        %dma_wait3A_422 = tpu.memref_squeeze %dma_wait3A_421 : memref<1x16xf32, #tpu.memory_space<hbm>> -> memref<16xf32, #tpu.memory_space<hbm>>
        tpu.wait_dma2 semaphore(%run_scoped3A : memref<!tpu.dma_semaphore, #tpu.memory_space<semaphore_mem>>) src(%arg8 : memref<16xf32, #tpu.memory_space<vmem>>) dst(%dma_wait3A_422 : memref<16xf32, #tpu.memory_space<hbm>>)
        tpu.yield
      }) : () -> ()
    } else {
    }
    return
  }
}

</mosaic_0001>

<sc_bundles>
// kernel: _sc_means.3.cloned.1.call-start
scs
__scs_entry_jumppad:
0x0: {  	(pc) =	sbr.rel $0x88, $3  }
0x1: {  	(tag) =	ssettag $0x0;
	lr =	simm.s32 $0x1  }
0x2: {  	[smem:$0x3FA0] =	sst lr;
	_ =	strace $0xD0000000  }
0x3: {  	_ = 	snop  }
0x4: {  	_ = 	snop  }
0x5: {  	_ = 	snop  }
0x6: {  	_ = 	snop  }
0x7: {  	_ = 	snop  }
__scs_overlays_trampoline_lowered:
0x8: {  	[smem:$0x3FAF] =	sst s0  }
0x9: {  	[smem:$0x3FB0] =	sst s1  }
0xa: {  	[smem:$0x3FB1] =	sst s2  }
0xb: {  	[smem:$0x3FB2] =	sst s3  }
0xc: {  	[smem:$0x3FB3] =	sst s4  }
0xd: {  	[smem:$0x3FB4] =	sst s5  }
0xe: {  	[smem:$0x3FB5] =	sst s6  }
0xf: {  	[smem:$0x3FB6] =	sst s7  }
0x10: {  	[smem:$0x3FB7] =	sst s8  }
0x11: {  	[smem:$0x3FB8] =	sst s9;
	s0 =	simm.s32 @!p0 $0x0  }
0x12: {  	s1 =	sld [smem:$0x3F9E];
	s0 =	simm.s32 @p0 $0x1  }
0x13: {  	[smem:$0x3FB9] =	sst s0;
	s0 =	simm.s32 @!p1 $0x0  }
0x14: {  	s2 =	sld [smem:$0x3F9D];
	s0 =	simm.s32 @p1 $0x1  }
0x15: {  	[smem:$0x3FBA] =	sst s0;
	s0 =	simm.s32 @!p2 $0x0  }
0x16: {  	s3 =	sld [smem:$0x3FDB];
	s0 =	simm.s32 @p2 $0x1  }
0x17: {  	s4 =	simm.s32 $0x1BF5;
	[smem:$0x3FBC] =	sst s0  }
0x18: {  	s0 =	sld [smem:$0x3F9F];
	_ =	swait.ge [sflag:s4], $0x0  }
0x19: {  	s7 =	sld [smem:$0x3FA0]  }
0x1a: {  	s8 =	sadd.s32 $0xFFFFE003, lr  }
0x1b: {  	s9 =	sadd.s32 $0xFFFFFEF7, lr;
	s5 =	simm.s32 $0xFFFFFFFF;
	p2 =	slt.u32 s8, $0xFFFFF086  }
0x1c: {  	p1 =	slt.u32 s9, $0xF7A;
	s5 =	simm.s32 @!p2 $0x0  }
0x1d: {  	s5 =	simm.s32 @p1 $0x1;
	p0 =	seq.s32 s7, s2  }
0x1e: {  	s7 =	smul.u32 @!p0 $0xF7A, s2;
	p2 =	seq.s32 @!p0 s5, $0x0  }
0x1f: {  	s9 =	smul.u32 $0xF7A, s1;
	s8 =	simm.s32 @!p0 $0x1BF5;
	p2 =	por !p2, p0  }
0x20: {  	[sflag:s8] =	ssyncset.s32 @!p0 $0xFFFFF086;
	s6 =	sadd.s32 @!p0 s3, s7;
	s7 =	simm.s32 @!p0 $0x108  }
0x21: {  	s3 =	sadd.s32 s3, s9;
	s6 =	sadd.s32 @!p0 $0x88, s6;
	s7 =	simm.s32 @p2 $0x1082  }
0x22: {  	[simem:s7], [sflag:s8] =	dma.local @!p0 [hbm:s6], $0xF7A  }
0x23: {  	s9 =	sor.u32 $0xD0000000, s2;
	s6 =	simm.s32 $0x108;
	_ =	swait.ge @!p0 [sflag:s8], $0x0  }
0x24: {  	s3 =	sadd.s32 $0x88, s3;
	s6 =	simm.s32 @!p1 $0x1082;
	[sflag:s4] =	ssyncset.s32 $0xFFFFF086  }
0x25: {  	[simem:s6], [sflag:s4] =	dma.local [hbm:s3], $0xF7A  }
0x26: {  	[smem:$0x3FA0] =	sst s1;
	(tag) =	ssettag s2;
	_ =	strace s9  }
0x27: {  	s1 =	sld [smem:$0x3FB0]  }
0x28: {  	s2 =	sld [smem:$0x3FB1]  }
0x29: {  	s4 =	sld [smem:$0x3FB3]  }
0x2a: {  	p0 =	seq.s32 s5, $0x0;
	s5 =	sld [smem:$0x3FB4]  }
0x2b: {  	s6 =	sld [smem:$0x3FB5]  }
0x2c: {  	s7 =	sld [smem:$0x3FB6]  }
0x2d: {  	s3 =	simm.s32 $0x108;
	s8 =	sld [smem:$0x3FB7]  }
0x2e: {  	s3 =	simm.s32 @!p0 $0x1082;
	s9 =	sld [smem:$0x3FB8]  }
0x2f: {  	lr =	sadd.s32 s0, s3;
	s0 =	sld [smem:$0x3FAF]  }
0x30: {  	s3 =	sld [smem:$0x3FB2]  }
0x31: {  	[smem:$0x3FBB] =	sst s10  }
0x32: {  	s10 =	sld [smem:$0x3FB9];
	_ =	sdelay $0x3  }
0x33: {  	p0 =	seq.s32 s10, $0x1;
	s10 =	sld [smem:$0x3FBB];
	_ =	sdelay $0x3  }
0x34: {  	[smem:$0x3FBB] =	sst s10  }
0x35: {  	s10 =	sld [smem:$0x3FBA];
	_ =	sdelay $0x3  }
0x36: {  	p1 =	seq.s32 s10, $0x1;
	s10 =	sld [smem:$0x3FBB];
	_ =	sdelay $0x3  }
0x37: {  	[smem:$0x3FBB] =	sst s10  }
0x38: {  	s10 =	sld [smem:$0x3FBC]  }
0x39: {  	_ = 	snop;
	(pc) =	sbr.ind lr, $3  }
0x3a: {  	_ = 	snop  }
0x3b: {  	_ = 	snop  }
0x3c: {  	p2 =	seq.s32 s10, $0x1;
	s10 =	sld [smem:$0x3FBB]  }
0x3d: {  	_ =	shalt  }
0x3e: {  	_ =	shalt  }
0x3f: {  	_ =	shalt  }
0x40: {  	_ =	shalt  }
0x41: {  	_ =	shalt  }
0x42: {  	_ =	shalt  }
0x43: {  	_ =	shalt  }
0x44: {  	_ =	shalt  }
0x45: {  	_ =	shalt  }
0x46: {  	_ =	shalt  }
0x47: {  	_ =	shalt  }
0x48: {  	_ =	shalt  }
0x49: {  	_ =	shalt  }
0x4a: {  	_ =	shalt  }
0x4b: {  	_ =	shalt  }
0x4c: {  	_ =	shalt  }
0x4d: {  	_ =	shalt  }
0x4e: {  	_ =	shalt  }
0x4f: {  	_ =	shalt  }
0x50: {  	_ =	shalt  }
0x51: {  	_ =	shalt  }
0x52: {  	_ =	shalt  }
0x53: {  	_ =	shalt  }
0x54: {  	_ =	shalt  }
0x55: {  	_ =	shalt  }
0x56: {  	_ =	shalt  }
0x57: {  	_ =	shalt  }
0x58: {  	_ =	shalt  }
0x59: {  	_ =	shalt  }
0x5a: {  	_ =	shalt  }
0x5b: {  	_ =	shalt  }
0x5c: {  	_ =	shalt  }
0x5d: {  	_ =	shalt  }
0x5e: {  	_ =	shalt  }
0x5f: {  	_ =	shalt  }
0x60: {  	_ =	shalt  }
0x61: {  	_ =	shalt  }
0x62: {  	_ =	shalt  }
0x63: {  	_ =	shalt  }
0x64: {  	_ =	shalt  }
0x65: {  	_ =	shalt  }
0x66: {  	_ =	shalt  }
0x67: {  	_ =	shalt  }
0x68: {  	_ =	shalt  }
0x69: {  	_ =	shalt  }
0x6a: {  	_ =	shalt  }
0x6b: {  	_ =	shalt  }
0x6c: {  	_ =	shalt  }
0x6d: {  	_ =	shalt  }
0x6e: {  	_ =	shalt  }
0x6f: {  	_ =	shalt  }
0x70: {  	_ =	shalt  }
0x71: {  	_ =	shalt  }
0x72: {  	_ =	shalt  }
0x73: {  	_ =	shalt  }
0x74: {  	_ =	shalt  }
0x75: {  	_ =	shalt  }
0x76: {  	_ =	shalt  }
0x77: {  	_ =	shalt  }
0x78: {  	_ =	shalt  }
0x79: {  	_ =	shalt  }
0x7a: {  	_ =	shalt  }
0x7b: {  	_ =	shalt  }
0x7c: {  	_ =	shalt  }
0x7d: {  	_ =	shalt  }
0x7e: {  	_ =	shalt  }
0x7f: {  	_ =	shalt  }
0x80: {  	_ =	shalt  }
0x81: {  	_ =	shalt  }
0x82: {  	_ =	shalt  }
0x83: {  	_ =	shalt  }
0x84: {  	_ =	shalt  }
0x85: {  	_ =	shalt  }
0x86: {  	_ =	shalt  }
0x87: {  	_ =	shalt  }
.Lfunc_end0:
.L_simem_size_0:
called_computation_lowered:
.L_overlay_start_0:
0x88: {  	s2 =	sld [smem:$0x3FD9]  }
0x89: {  	s3 =	sld [smem:$0x3FFE];
	_ =	sdelay $0x1  }
0x8a: {  	s1 =	srdreg.scid  }
0x8b: {  	s0 =	sand.u32 $0x1, s1  }
0x8c: {  	s18 =	sshll.u32 s0, $0xA;
	s2 =	sadd.s32 s3, s2  }
0x8d: {  	s2 =	sadd.s32 s2, s18  }
0x8e: {  	[smem:$0x3FC7] =	sst s2  }
0x8f: {  	_ = 	snop  }
0x90: {  	s2 =	sld [smem:$0x3FC9]  }
0x91: {  	s19 =	sld [smem:$0x3FD0];
	(tm) =	ssettm $0x1  }
0x92: {  	s4 =	sld [smem:$0x3FFB];
	_ =	sdelay $0x3  }
0x93: {  	_ =	strace s4  }
0x94: {  	s4 =	sld [smem:$0x3FFC];
	_ =	sdelay $0x3  }
0x95: {  	_ =	strace s4  }
0x96: {  	s4 =	sld [smem:$0x3FFD];
	_ =	sdelay $0x3  }
0x97: {  	_ =	strace s4  }
0x98: {  	_ =	strace $0x8FFFFFFF  }
0x99: {  	s20 =	sld [smem:$0x3FDB];
	_ =	sdelay $0x1  }
0x9a: {  	s5 =	simm.s32 $_scs_section_size  }
0x9b: {  	s6 =	simm.s32 $_size__tile_overlayer_lowered;
	s7 =	simm.s32 $_tile_overlayer_lowered  }
0x9c: {  	s23 =	simm.s32 $0x1BFF;
	s22 =	sshll.u32 s7, $0x1;
	s4 =	sadd.s32 s5, s20  }
0x9d: {  	s8 =	simm.s32 $0x0;
	s21 =	sshll.u32 s6, $0x1;
	s6 =	sadd.s32 s22, s4  }
0x9e: {  	[timem:s8], [sflag:s23] =	dma.local [hbm:s6], s21  }
0x9f: {  	_ =	swait.ge [sflag:s23], s21  }
0xa0: {  	s5 =	ssub.s32 $0x0, s21;
	[sflag:s23] =	ssyncset.done $0x0  }
0xa1: {  	[sflag:s23] =	ssyncadd.s32 s5;
	_ =	sdelay $0x1  }
0xa2: {  	s24 =	simm.s32 $0x1B8B  }
0xa3: {  	_ =	swait.ge [sflag:s24], $0x1  }
0xa4: {  	[sflag:s24] =	ssyncset.done $0x0  }
0xa5: {  	s25 =	simm.s32 $0x1B8E;
	[sflag:s24] =	ssyncadd.s32 $0xFFFFFFFF  }
0xa6: {  	s26 =	simm.s32 $execute0_lowered;
	[smem:$0x3FD2] =	sst s25  }
0xa7: {  	s5 =	sshll.u32 s26, $0x1;
	_ =	strace $0x80000046;
	[dreg:$0x1] =	wrdreg $0xFFFFFFFF  }
0xa8: {  	s28 =	simm.s32 $_size_execute0_lowered;
	s4 =	sadd.s32 s4, s5;
	[dreg:$0x0] =	wrdreg $0x0  }
0xa9: {  	s5 =	sshll.u32 s28, $0x1;
	[dreg:$0x2] =	wrdreg s4  }
0xaa: {  	[dreg:$0x3] =	wrdreg s5  }
0xab: {  	[dreg:$0x4] =	wrdreg $0xC0  }
0xac: {  	_ =	task [dreg:s8], $0x5FFFF  }
0xad: {  	[dreg:$0x1] =	wrdreg $0xFFFFFFFF  }
0xae: {  	[dreg:$0x0] =	wrdreg $0x60  }
0xaf: {  	[dreg:$0x2] =	wrdreg s2  }
0xb0: {  	[dreg:$0x3] =	wrdreg s19  }
0xb1: {  	[dreg:$0x4] =	wrdreg $0x102000  }
0xb2: {  	[dreg:$0x5] =	wrdreg $0x9  }
0xb3: {  	_ =	task.clear_ibuf [dreg:s8], $0x6FFFF;
	_ =	strace $0x90000046  }
0xb4: {  	s29 =	simm.s32 $0x9;
	_ =	strace $0x80000048  }
0xb5: {  	_ =	swait.ge [sflag:s29], $0x1  }
0xb6: {  	[sflag:s29] =	ssyncadd.s32 $0xFFFFFFFF  }
0xb7: {  	_ =	strace $0x90000048  }
0xb8: {  	_ =	sfence  }
0xb9: {  	s30 =	sld [smem:$0x0];
	_ =	sdelay $0x2  }
0xba: {  	s31 =	sshll.u32 s1, $0xD;
	s1 =	sshrl.u32 s1, $0x2  }
0xbb: {  	s3 =	sand.u32 $0x4000, s31;
	s1 =	sadd.s32 s1, s30  }
0xbc: {  	s0 =	sor.u32 s3, s0;
	s1 =	sshll.u32 s1, $0x11  }
0xbd: {  	s0 =	sor.u32 s1, s0  }
0xbe: {  	s0 =	sadd.s32 $0x8F2B, s0  }
0xbf: {  	[sflag:s0] =	ssyncadd.remote.s32 $0x1  }
0xc0: {  	_ =	sfence.sel $0xFFFF  }
0xc1: {  	[dreg:$0x0] =	wrdreg $0xFFFFFFFF;
	(pc) =	sbr.abs _section_cstart, $3  }
0xc2: {  	[dreg:$0x1] =	wrdreg $0xFFFFFFFF  }
0xc3: {  	_ =	task.clear_ibuf [dreg:s8], $0x2FFFF;
	_ =	strace $0x9FFFFFFF  }
0xc4: {  	(tm) =	ssettm $0x7FFFFFFF  }
0xc5: {  	_ =	shalt  }
tec
execute0_lowered:
.L_overlay_start_1:
0x0: {  	(tag) =	ssettag $0x1  }
0x1: {  	s3 =	rddreg [dreg:$0x0]  }
0x2: {  	v0 =	vimm.s32 $0xFEDCBA98;
	s12 =	rddreg [dreg:$0x1];
	s2 =	srdreg.scid  }
0x3: {  	s0 =	simm.s32 $0x0;
	v1 =	vimm.s32 $0x76543210;
	s1 =	rddreg [dreg:$0x2];
	s17 =	stileid.u32;
	v2 =	vimm.s32 $0xBA98FEDC;
	v3 =	vimm.s32 $0x32107654  }
0x4: {  	v4 =	vimm.s32 $0xDCFE98BA;
	v5 =	vimm.s32 $0x54761032;
	s16 =	simm.s32 $0x2;
	s18 =	simm.s32 $0x3;
	s19 =	simm.s32 $0x10080  }
0x5: {  	v6 =	vimm.s32 $0xEFCDAB89;
	v7 =	vimm.s32 $0x67452301;
	vm0 =	vmmov $0x1;
	s20 =	simm.s32 $0x10180;
	s21 =	simm.s32 $0x0;
	[smem:$0x7FF] =	sst s0  }
0x6: {  	v0 =	vunpack.c.l.s4.s8 v0;
	v1 =	vunpack.c.l.s4.s8 v1;
	s11 =	sand.u32 $0x1, s2;
	s6 =	sshll.u32 s17, $0xF;
	v2 =	vunpack.c.l.s4.s8 v2;
	s2 =	rddreg [dreg:$0x3]  }
0x7: {  	v3 =	vunpack.c.l.s4.s8 v3;
	v4 =	vunpack.c.l.s4.s8 v4;
	v5 =	vunpack.c.l.s4.s8 v5;
	s14 =	sshll.u32 s17, $0x4;
	p0 =	sne.s32 s17, $0x0;
	s17 =	simm.s32 $0x10000  }
0x8: {  	v6 =	vunpack.c.l.s4.s8 v6;
	v7 =	vunpack.c.l.s4.s8 v7;
	s4 =	ssub.s32 $0x2, s11;
	s5 =	sshll.u32 s11, $0x13;
	_ =	strace $0x80000047;
	v0 =	vunpack.c.0.s8.s32 v0  }
0x9: {  	s15 =	sshll.u32 s11, $0x4;
	s11 =	sadd.s32 s14, s1;
	s14 =	simm.s32 $0x8000;
	v2 =	vunpack.c.0.s8.s32 v2;
	v3 =	vunpack.c.0.s8.s32 v3;
	v4 =	vunpack.c.0.s8.s32 v4  }
.Ltmp0:
0xa: {  	s7 =	sshrl.u32 s4, $0x1;
	s5 =	sor.u32 s6, s5;
	v5 =	vunpack.c.0.s8.s32 v5;
	v6 =	vunpack.c.0.s8.s32 v6;
	v7 =	vunpack.c.0.s8.s32 v7;
	(pc) =	sbr.rel .LBB2_1-.Ltmp0, $4  }
0xb: {  	vm1 =	vcmask $0x310;
	v1 =	vunpack.c.0.s8.s32 v1;
	s12 =	sadd.s32 s12, s15;
	s15 =	simm.s32 $0x1;
	s3 =	sadd.s32 s3, s5;
	v2 =	vcombine.low v3, v2  }
0xc: {  	s13 =	ssub.s32 s4, s7;
	s4 =	sadd.s32 $0x1000, s3;
	s5 =	sadd.s32 $0x2000, s3;
	v3 =	vcombine.low v5, v4;
	v4 =	vcombine.low v7, v6;
	v0 =	vand.u32 $0xF, v0  }
0xd: {  	vm2 =	vcmask $0x710;
	vm3 =	vcmask $0xB10;
	s6 =	sadd.s32 $0x3000, s3;
	s7 =	sadd.s32 $0x4000, s3;
	s8 =	sadd.s32 $0x5000, s3;
	v0 =	vcombine.low v0, v1  }
0xe: {  	s9 =	sadd.s32 $0x6000, s3;
	s10 =	sadd.s32 $0x7000, s3;
	s13 =	smax.u32 s13, $0x1;
	v1 =	vand.u32 $0xF, v2;
	v2 =	vand.u32 $0xF, v3;
	v3 =	vand.u32 $0xF, v4  }
.LBB2_19:
0xf: {  	s21 =	sadd.s32 $0x1, s21  }
0x10: {  	p1 =	sne.s32 s21, s13  }
.Ltmp1:
0x11: {  	_ = 	snop;
	(pc) =	sbr.rel @!p1 .LBB2_20-.Ltmp1, $1  }
0x12: {  	_ =	sdelay $0x3  }
.LBB2_1:
0x13: {  	[tilespmem:s0], [sflag:$0x1] =	stream.linear.gather [hbm4b:s3+s0], $0x8000, $0x38;
	[tilespmem:$0x10210] =	vst v63  }
0x14: {  	_ = 	snop  }
0x15: {  	[tilespmem:s14], [sflag:$0x2] =	stream.linear.gather [hbm4b:s4+s0], $0x8000, $0x38;
	[tilespmem:$0x10210] =	vst v63  }
0x16: {  	_ =	swait.ge [sflag:s15], $0x8000  }
0x17: {  	[sflag:s15] =	ssyncset.done $0x0  }
0x18: {  	s24 =	simm.s32 $0x0;
	[sflag:s15] =	ssyncadd.s32 $0xFFFF8000  }
0x19: {  	v4 =	vld [tilespmem:s24+$0x70]  }
0x1a: {  	v6 =	vld [tilespmem:s24+$0x0]  }
0x1b: {  	v8 =	vld [tilespmem:s24+$0x10]  }
0x1c: {  	v9 =	vld [tilespmem:s24+$0x20]  }
0x1d: {  	v12 =	vld [tilespmem:s24+$0x30]  }
0x1e: {  	v7 =	vimm.f32 $0.0e+00;
	v13 =	vimm.f32 $0.0e+00;
	v10 =	vld [tilespmem:s24+$0x40]  }
0x1f: {  	v14 =	vimm.f32 $0.0e+00;
	v11 =	vimm.f32 $0.0e+00;
	v15 =	vld [tilespmem:s24+$0x50];
	v5 =	vadd.f32 v4, v7  }
0x20: {  	s22 =	simm.s32 $0x80;
	s23 =	simm.s32 $0x400;
	v16 =	vld [tilespmem:s24+$0x60];
	v4 =	vadd.f32 v6, v7;
	v6 =	vadd.f32 v8, v7;
	v8 =	vimm.f32 $0.0e+00  }
.LBB2_2:
0x21: {  	p1 =	sne.s32 s23, $0x1FE00;
	v17 =	vld [tilespmem:s22+$0x70];
	v7 =	vadd.f32 v9, v7  }
0x22: {  	v18 =	vld [tilespmem:s22+$0x0];
	v8 =	vadd.f32 v12, v8  }
0x23: {  	v19 =	vld [tilespmem:s22+$0x10];
	v13 =	vadd.f32 v10, v13  }
.Ltmp2:
0x24: {  	v9 =	vld [tilespmem:s22+$0x20];
	v14 =	vadd.f32 v15, v14;
	(pc) =	sbr.rel @p1 .LBB2_2-.Ltmp2, $4  }
0x25: {  	v12 =	vld [tilespmem:s22+$0x30];
	v11 =	vadd.f32 v16, v11  }
0x26: {  	v10 =	vld [tilespmem:s22+$0x40];
	v5 =	vadd.f32 v17, v5  }
0x27: {  	v4 =	vadd.f32 v18, v4;
	v15 =	vld [tilespmem:s22+$0x50]  }
0x28: {  	v6 =	vadd.f32 v19, v6;
	v16 =	vld [tilespmem:s22+$0x60];
	s22 =	sshra.s32 s23, $0x2;
	s23 =	sadd.s32 $0x200, s23  }
0x29: {  	v17 =	vld [tilespmem:s22+$0x70]  }
0x2a: {  	v18 =	vld [tilespmem:s22+$0x0]  }
0x2b: {  	v19 =	vld [tilespmem:s22+$0x10]  }
0x2c: {  	v20 =	vld [tilespmem:s22+$0x20]  }
0x2d: {  	v21 =	vld [tilespmem:s22+$0x30]  }
0x2e: {  	v22 =	vld [tilespmem:s22+$0x40]  }
0x2f: {  	v23 =	vld [tilespmem:s22+$0x50];
	s31 =	simm.s32 $0x0  }
0x30: {  	v24 =	vld [tilespmem:s22+$0x60];
	[tilespmem:s31], [sflag:$0x1] =	stream.linear.gather [hbm4b:s5+s31], $0x8000, $0x38  }
0x31: {  	_ =	swait.ge [sflag:s16], $0x8000  }
0x32: {  	[sflag:s16] =	ssyncset.done $0x0  }
0x33: {  	s24 =	simm.s32 $0x0;
	[sflag:s16] =	ssyncadd.s32 $0xFFFF8000  }
0x34: {  	v7 =	vadd.f32 v9, v7;
	v8 =	vadd.f32 v12, v8;
	v9 =	vld [tilespmem:s24+$0x8070]  }
0x35: {  	v10 =	vadd.f32 v10, v13;
	v14 =	vadd.f32 v15, v14;
	v25 =	vld [tilespmem:s24+$0x8000]  }
0x36: {  	v11 =	vadd.f32 v16, v11;
	v15 =	vadd.f32 v17, v5;
	v16 =	vld [tilespmem:s24+$0x8010]  }
0x37: {  	v17 =	vadd.f32 v18, v4;
	v18 =	vadd.f32 v19, v6;
	v12 =	vld [tilespmem:s24+$0x8020]  }
0x38: {  	v4 =	vadd.f32 v20, v7;
	v5 =	vadd.f32 v21, v8;
	v13 =	vld [tilespmem:s24+$0x8030]  }
0x39: {  	v6 =	vadd.f32 v22, v10;
	v7 =	vadd.f32 v23, v14;
	v14 =	vld [tilespmem:s24+$0x8040]  }
0x3a: {  	v8 =	vadd.f32 v24, v11;
	v9 =	vadd.f32 v9, v15;
	v15 =	vld [tilespmem:s24+$0x8050]  }
0x3b: {  	s22 =	simm.s32 $0x80;
	s23 =	simm.s32 $0x400;
	v10 =	vadd.f32 v25, v17;
	v11 =	vadd.f32 v16, v18;
	v16 =	vld [tilespmem:s24+$0x8060]  }
.LBB2_4:
0x3c: {  	p1 =	sne.s32 s23, $0x1FE00;
	v17 =	vld [tilespmem:s22+$0x8070];
	v4 =	vadd.f32 v12, v4  }
0x3d: {  	v18 =	vld [tilespmem:s22+$0x8000];
	v5 =	vadd.f32 v13, v5  }
0x3e: {  	v19 =	vld [tilespmem:s22+$0x8010];
	v6 =	vadd.f32 v14, v6  }
.Ltmp3:
0x3f: {  	v12 =	vld [tilespmem:s22+$0x8020];
	v7 =	vadd.f32 v15, v7;
	(pc) =	sbr.rel @p1 .LBB2_4-.Ltmp3, $4  }
0x40: {  	v13 =	vld [tilespmem:s22+$0x8030];
	v8 =	vadd.f32 v16, v8  }
0x41: {  	v14 =	vld [tilespmem:s22+$0x8040];
	v9 =	vadd.f32 v17, v9  }
0x42: {  	v10 =	vadd.f32 v18, v10;
	v15 =	vld [tilespmem:s22+$0x8050]  }
0x43: {  	v11 =	vadd.f32 v19, v11;
	v16 =	vld [tilespmem:s22+$0x8060];
	s22 =	sshra.s32 s23, $0x2;
	s23 =	sadd.s32 $0x200, s23  }
0x44: {  	v17 =	vld [tilespmem:s22+$0x8070]  }
0x45: {  	v18 =	vld [tilespmem:s22+$0x8000]  }
0x46: {  	v19 =	vld [tilespmem:s22+$0x8010]  }
0x47: {  	v20 =	vld [tilespmem:s22+$0x8020]  }
0x48: {  	v21 =	vld [tilespmem:s22+$0x8030]  }
0x49: {  	v22 =	vld [tilespmem:s22+$0x8040]  }
0x4a: {  	v23 =	vld [tilespmem:s22+$0x8050];
	s31 =	simm.s32 $0x0  }
0x4b: {  	v24 =	vld [tilespmem:s22+$0x8060];
	[tilespmem:s14], [sflag:$0x2] =	stream.linear.gather [hbm4b:s6+s31], $0x8000, $0x38  }
0x4c: {  	_ =	swait.ge [sflag:s15], $0x8000  }
0x4d: {  	[sflag:s15] =	ssyncset.done $0x0  }
0x4e: {  	s24 =	simm.s32 $0x0;
	[sflag:s15] =	ssyncadd.s32 $0xFFFF8000  }
0x4f: {  	v4 =	vadd.f32 v12, v4;
	v5 =	vadd.f32 v13, v5;
	v25 =	vld [tilespmem:s24+$0x70]  }
0x50: {  	v6 =	vadd.f32 v14, v6;
	v7 =	vadd.f32 v15, v7;
	v26 =	vld [tilespmem:s24+$0x0]  }
0x51: {  	v8 =	vadd.f32 v16, v8;
	v9 =	vadd.f32 v17, v9;
	v16 =	vld [tilespmem:s24+$0x10]  }
0x52: {  	v10 =	vadd.f32 v18, v10;
	v11 =	vadd.f32 v19, v11;
	v12 =	vld [tilespmem:s24+$0x20]  }
0x53: {  	v4 =	vadd.f32 v20, v4;
	v5 =	vadd.f32 v21, v5;
	v13 =	vld [tilespmem:s24+$0x30]  }
0x54: {  	v6 =	vadd.f32 v22, v6;
	v7 =	vadd.f32 v23, v7;
	v14 =	vld [tilespmem:s24+$0x40]  }
0x55: {  	v15 =	vld [tilespmem:s24+$0x50];
	v8 =	vadd.f32 v24, v8;
	v9 =	vadd.f32 v25, v9  }
0x56: {  	s22 =	simm.s32 $0x80;
	s23 =	simm.s32 $0x400;
	v10 =	vadd.f32 v26, v10;
	v11 =	vadd.f32 v16, v11;
	v16 =	vld [tilespmem:s24+$0x60]  }
.LBB2_6:
0x57: {  	p1 =	sne.s32 s23, $0x1FE00;
	v17 =	vld [tilespmem:s22+$0x70];
	v4 =	vadd.f32 v12, v4  }
0x58: {  	v18 =	vld [tilespmem:s22+$0x0];
	v5 =	vadd.f32 v13, v5  }
0x59: {  	v19 =	vld [tilespmem:s22+$0x10];
	v6 =	vadd.f32 v14, v6  }
.Ltmp4:
0x5a: {  	v12 =	vld [tilespmem:s22+$0x20];
	v7 =	vadd.f32 v15, v7;
	(pc) =	sbr.rel @p1 .LBB2_6-.Ltmp4, $4  }
0x5b: {  	v13 =	vld [tilespmem:s22+$0x30];
	v8 =	vadd.f32 v16, v8  }
0x5c: {  	v14 =	vld [tilespmem:s22+$0x40];
	v9 =	vadd.f32 v17, v9  }
0x5d: {  	v10 =	vadd.f32 v18, v10;
	v15 =	vld [tilespmem:s22+$0x50]  }
0x5e: {  	v11 =	vadd.f32 v19, v11;
	v16 =	vld [tilespmem:s22+$0x60];
	s22 =	sshra.s32 s23, $0x2;
	s23 =	sadd.s32 $0x200, s23  }
0x5f: {  	v17 =	vld [tilespmem:s22+$0x70]  }
0x60: {  	v18 =	vld [tilespmem:s22+$0x0]  }
0x61: {  	v19 =	vld [tilespmem:s22+$0x10]  }
0x62: {  	v20 =	vld [tilespmem:s22+$0x20]  }
0x63: {  	v21 =	vld [tilespmem:s22+$0x30]  }
0x64: {  	v22 =	vld [tilespmem:s22+$0x40]  }
0x65: {  	v23 =	vld [tilespmem:s22+$0x50];
	s31 =	simm.s32 $0x0  }
0x66: {  	v24 =	vld [tilespmem:s22+$0x60];
	[tilespmem:s31], [sflag:$0x1] =	stream.linear.gather [hbm4b:s7+s31], $0x8000, $0x38  }
0x67: {  	_ =	swait.ge [sflag:s16], $0x8000  }
0x68: {  	[sflag:s16] =	ssyncset.done $0x0  }
0x69: {  	s24 =	simm.s32 $0x0;
	[sflag:s16] =	ssyncadd.s32 $0xFFFF8000  }
0x6a: {  	v4 =	vadd.f32 v12, v4;
	v5 =	vadd.f32 v13, v5;
	v25 =	vld [tilespmem:s24+$0x8070]  }
0x6b: {  	v6 =	vadd.f32 v14, v6;
	v7 =	vadd.f32 v15, v7;
	v26 =	vld [tilespmem:s24+$0x8000]  }
0x6c: {  	v8 =	vadd.f32 v16, v8;
	v9 =	vadd.f32 v17, v9;
	v16 =	vld [tilespmem:s24+$0x8010]  }
0x6d: {  	v10 =	vadd.f32 v18, v10;
	v11 =	vadd.f32 v19, v11;
	v12 =	vld [tilespmem:s24+$0x8020]  }
0x6e: {  	v4 =	vadd.f32 v20, v4;
	v5 =	vadd.f32 v21, v5;
	v13 =	vld [tilespmem:s24+$0x8030]  }
0x6f: {  	v6 =	vadd.f32 v22, v6;
	v7 =	vadd.f32 v23, v7;
	v14 =	vld [tilespmem:s24+$0x8040]  }
0x70: {  	v15 =	vld [tilespmem:s24+$0x8050];
	v8 =	vadd.f32 v24, v8;
	v9 =	vadd.f32 v25, v9  }
0x71: {  	s22 =	simm.s32 $0x80;
	s23 =	simm.s32 $0x400;
	v10 =	vadd.f32 v26, v10;
	v11 =	vadd.f32 v16, v11;
	v16 =	vld [tilespmem:s24+$0x8060]  }
.LBB2_8:
0x72: {  	p1 =	sne.s32 s23, $0x1FE00;
	v17 =	vld [tilespmem:s22+$0x8070];
	v4 =	vadd.f32 v12, v4  }
0x73: {  	v18 =	vld [tilespmem:s22+$0x8000];
	v5 =	vadd.f32 v13, v5  }
0x74: {  	v19 =	vld [tilespmem:s22+$0x8010];
	v6 =	vadd.f32 v14, v6  }
.Ltmp5:
0x75: {  	v12 =	vld [tilespmem:s22+$0x8020];
	v7 =	vadd.f32 v15, v7;
	(pc) =	sbr.rel @p1 .LBB2_8-.Ltmp5, $4  }
0x76: {  	v13 =	vld [tilespmem:s22+$0x8030];
	v8 =	vadd.f32 v16, v8  }
0x77: {  	v14 =	vld [tilespmem:s22+$0x8040];
	v9 =	vadd.f32 v17, v9  }
0x78: {  	v10 =	vadd.f32 v18, v10;
	v15 =	vld [tilespmem:s22+$0x8050]  }
0x79: {  	v11 =	vadd.f32 v19, v11;
	v16 =	vld [tilespmem:s22+$0x8060];
	s22 =	sshra.s32 s23, $0x2;
	s23 =	sadd.s32 $0x200, s23  }
0x7a: {  	v17 =	vld [tilespmem:s22+$0x8070]  }
0x7b: {  	v18 =	vld [tilespmem:s22+$0x8000]  }
0x7c: {  	v19 =	vld [tilespmem:s22+$0x8010]  }
0x7d: {  	v20 =	vld [tilespmem:s22+$0x8020]  }
0x7e: {  	v21 =	vld [tilespmem:s22+$0x8030]  }
0x7f: {  	v22 =	vld [tilespmem:s22+$0x8040]  }
0x80: {  	v23 =	vld [tilespmem:s22+$0x8050];
	s31 =	simm.s32 $0x0  }
0x81: {  	v24 =	vld [tilespmem:s22+$0x8060];
	[tilespmem:s14], [sflag:$0x2] =	stream.linear.gather [hbm4b:s8+s31], $0x8000, $0x38  }
0x82: {  	_ =	swait.ge [sflag:s15], $0x8000  }
0x83: {  	[sflag:s15] =	ssyncset.done $0x0  }
0x84: {  	s24 =	simm.s32 $0x0;
	[sflag:s15] =	ssyncadd.s32 $0xFFFF8000  }
0x85: {  	v4 =	vadd.f32 v12, v4;
	v5 =	vadd.f32 v13, v5;
	v25 =	vld [tilespmem:s24+$0x70]  }
0x86: {  	v6 =	vadd.f32 v14, v6;
	v7 =	vadd.f32 v15, v7;
	v26 =	vld [tilespmem:s24+$0x0]  }
0x87: {  	v8 =	vadd.f32 v16, v8;
	v9 =	vadd.f32 v17, v9;
	v16 =	vld [tilespmem:s24+$0x10]  }
0x88: {  	v10 =	vadd.f32 v18, v10;
	v11 =	vadd.f32 v19, v11;
	v12 =	vld [tilespmem:s24+$0x20]  }
0x89: {  	v4 =	vadd.f32 v20, v4;
	v5 =	vadd.f32 v21, v5;
	v13 =	vld [tilespmem:s24+$0x30]  }
0x8a: {  	v6 =	vadd.f32 v22, v6;
	v7 =	vadd.f32 v23, v7;
	v14 =	vld [tilespmem:s24+$0x40]  }
0x8b: {  	v15 =	vld [tilespmem:s24+$0x50];
	v8 =	vadd.f32 v24, v8;
	v9 =	vadd.f32 v25, v9  }
0x8c: {  	s22 =	simm.s32 $0x80;
	s23 =	simm.s32 $0x400;
	v10 =	vadd.f32 v26, v10;
	v11 =	vadd.f32 v16, v11;
	v16 =	vld [tilespmem:s24+$0x60]  }
.LBB2_10:
0x8d: {  	p1 =	sne.s32 s23, $0x1FE00;
	v17 =	vld [tilespmem:s22+$0x70];
	v4 =	vadd.f32 v12, v4  }
0x8e: {  	v18 =	vld [tilespmem:s22+$0x0];
	v5 =	vadd.f32 v13, v5  }
0x8f: {  	v19 =	vld [tilespmem:s22+$0x10];
	v6 =	vadd.f32 v14, v6  }
.Ltmp6:
0x90: {  	v12 =	vld [tilespmem:s22+$0x20];
	v7 =	vadd.f32 v15, v7;
	(pc) =	sbr.rel @p1 .LBB2_10-.Ltmp6, $4  }
0x91: {  	v13 =	vld [tilespmem:s22+$0x30];
	v8 =	vadd.f32 v16, v8  }
0x92: {  	v14 =	vld [tilespmem:s22+$0x40];
	v9 =	vadd.f32 v17, v9  }
0x93: {  	v10 =	vadd.f32 v18, v10;
	v15 =	vld [tilespmem:s22+$0x50]  }
0x94: {  	v11 =	vadd.f32 v19, v11;
	v16 =	vld [tilespmem:s22+$0x60];
	s22 =	sshra.s32 s23, $0x2;
	s23 =	sadd.s32 $0x200, s23  }
0x95: {  	v17 =	vld [tilespmem:s22+$0x70]  }
0x96: {  	v18 =	vld [tilespmem:s22+$0x0]  }
0x97: {  	v19 =	vld [tilespmem:s22+$0x10]  }
0x98: {  	v20 =	vld [tilespmem:s22+$0x20]  }
0x99: {  	v21 =	vld [tilespmem:s22+$0x30]  }
0x9a: {  	v22 =	vld [tilespmem:s22+$0x40]  }
0x9b: {  	v23 =	vld [tilespmem:s22+$0x50];
	s31 =	simm.s32 $0x0  }
0x9c: {  	v24 =	vld [tilespmem:s22+$0x60];
	[tilespmem:s31], [sflag:$0x1] =	stream.linear.gather [hbm4b:s9+s31], $0x8000, $0x38  }
0x9d: {  	_ =	swait.ge [sflag:s16], $0x8000  }
0x9e: {  	[sflag:s16] =	ssyncset.done $0x0  }
0x9f: {  	s24 =	simm.s32 $0x0;
	[sflag:s16] =	ssyncadd.s32 $0xFFFF8000  }
0xa0: {  	v4 =	vadd.f32 v12, v4;
	v5 =	vadd.f32 v13, v5;
	v25 =	vld [tilespmem:s24+$0x8070]  }
0xa1: {  	v6 =	vadd.f32 v14, v6;
	v7 =	vadd.f32 v15, v7;
	v26 =	vld [tilespmem:s24+$0x8000]  }
0xa2: {  	v8 =	vadd.f32 v16, v8;
	v9 =	vadd.f32 v17, v9;
	v16 =	vld [tilespmem:s24+$0x8010]  }
0xa3: {  	v10 =	vadd.f32 v18, v10;
	v11 =	vadd.f32 v19, v11;
	v12 =	vld [tilespmem:s24+$0x8020]  }
0xa4: {  	v4 =	vadd.f32 v20, v4;
	v5 =	vadd.f32 v21, v5;
	v13 =	vld [tilespmem:s24+$0x8030]  }
0xa5: {  	v6 =	vadd.f32 v22, v6;
	v7 =	vadd.f32 v23, v7;
	v14 =	vld [tilespmem:s24+$0x8040]  }
0xa6: {  	v15 =	vld [tilespmem:s24+$0x8050];
	v8 =	vadd.f32 v24, v8;
	v9 =	vadd.f32 v25, v9  }
0xa7: {  	s22 =	simm.s32 $0x80;
	s23 =	simm.s32 $0x400;
	v10 =	vadd.f32 v26, v10;
	v11 =	vadd.f32 v16, v11;
	v16 =	vld [tilespmem:s24+$0x8060]  }
.LBB2_12:
0xa8: {  	p1 =	sne.s32 s23, $0x1FE00;
	v17 =	vld [tilespmem:s22+$0x8070];
	v4 =	vadd.f32 v12, v4  }
0xa9: {  	v18 =	vld [tilespmem:s22+$0x8000];
	v5 =	vadd.f32 v13, v5  }
0xaa: {  	v19 =	vld [tilespmem:s22+$0x8010];
	v6 =	vadd.f32 v14, v6  }
.Ltmp7:
0xab: {  	v12 =	vld [tilespmem:s22+$0x8020];
	v7 =	vadd.f32 v15, v7;
	(pc) =	sbr.rel @p1 .LBB2_12-.Ltmp7, $4  }
0xac: {  	v13 =	vld [tilespmem:s22+$0x8030];
	v8 =	vadd.f32 v16, v8  }
0xad: {  	v14 =	vld [tilespmem:s22+$0x8040];
	v9 =	vadd.f32 v17, v9  }
0xae: {  	v10 =	vadd.f32 v18, v10;
	v15 =	vld [tilespmem:s22+$0x8050]  }
0xaf: {  	v11 =	vadd.f32 v19, v11;
	v16 =	vld [tilespmem:s22+$0x8060];
	s22 =	sshra.s32 s23, $0x2;
	s23 =	sadd.s32 $0x200, s23  }
0xb0: {  	v17 =	vld [tilespmem:s22+$0x8070]  }
0xb1: {  	v18 =	vld [tilespmem:s22+$0x8000]  }
0xb2: {  	v19 =	vld [tilespmem:s22+$0x8010]  }
0xb3: {  	v20 =	vld [tilespmem:s22+$0x8020]  }
0xb4: {  	v21 =	vld [tilespmem:s22+$0x8030]  }
0xb5: {  	v22 =	vld [tilespmem:s22+$0x8040]  }
0xb6: {  	v23 =	vld [tilespmem:s22+$0x8050];
	s31 =	simm.s32 $0x0  }
0xb7: {  	v24 =	vld [tilespmem:s22+$0x8060];
	[tilespmem:s14], [sflag:$0x2] =	stream.linear.gather [hbm4b:s10+s31], $0x8000, $0x38  }
0xb8: {  	_ =	swait.ge [sflag:s15], $0x8000  }
0xb9: {  	[sflag:s15] =	ssyncset.done $0x0  }
0xba: {  	s24 =	simm.s32 $0x0;
	[sflag:s15] =	ssyncadd.s32 $0xFFFF8000  }
0xbb: {  	v4 =	vadd.f32 v12, v4;
	v5 =	vadd.f32 v13, v5;
	v25 =	vld [tilespmem:s24+$0x70]  }
0xbc: {  	v6 =	vadd.f32 v14, v6;
	v7 =	vadd.f32 v15, v7;
	v26 =	vld [tilespmem:s24+$0x0]  }
0xbd: {  	v8 =	vadd.f32 v16, v8;
	v9 =	vadd.f32 v17, v9;
	v16 =	vld [tilespmem:s24+$0x10]  }
0xbe: {  	v10 =	vadd.f32 v18, v10;
	v11 =	vadd.f32 v19, v11;
	v12 =	vld [tilespmem:s24+$0x20]  }
0xbf: {  	v4 =	vadd.f32 v20, v4;
	v5 =	vadd.f32 v21, v5;
	v13 =	vld [tilespmem:s24+$0x30]  }
0xc0: {  	v6 =	vadd.f32 v22, v6;
	v7 =	vadd.f32 v23, v7;
	v14 =	vld [tilespmem:s24+$0x40]  }
0xc1: {  	v15 =	vld [tilespmem:s24+$0x50];
	v8 =	vadd.f32 v24, v8;
	v9 =	vadd.f32 v25, v9  }
0xc2: {  	s22 =	simm.s32 $0x80;
	s23 =	simm.s32 $0x400;
	v10 =	vadd.f32 v26, v10;
	v11 =	vadd.f32 v16, v11;
	v16 =	vld [tilespmem:s24+$0x60]  }
.LBB2_14:
0xc3: {  	p1 =	sne.s32 s23, $0x1FE00;
	v17 =	vld [tilespmem:s22+$0x70];
	v4 =	vadd.f32 v12, v4  }
0xc4: {  	v18 =	vld [tilespmem:s22+$0x0];
	v5 =	vadd.f32 v13, v5  }
0xc5: {  	v19 =	vld [tilespmem:s22+$0x10];
	v6 =	vadd.f32 v14, v6  }
.Ltmp8:
0xc6: {  	v12 =	vld [tilespmem:s22+$0x20];
	v7 =	vadd.f32 v15, v7;
	(pc) =	sbr.rel @p1 .LBB2_14-.Ltmp8, $4  }
0xc7: {  	v13 =	vld [tilespmem:s22+$0x30];
	v8 =	vadd.f32 v16, v8  }
0xc8: {  	v14 =	vld [tilespmem:s22+$0x40];
	v9 =	vadd.f32 v17, v9  }
0xc9: {  	v10 =	vadd.f32 v18, v10;
	v15 =	vld [tilespmem:s22+$0x50]  }
0xca: {  	v11 =	vadd.f32 v19, v11;
	v16 =	vld [tilespmem:s22+$0x60];
	s22 =	sshra.s32 s23, $0x2;
	s23 =	sadd.s32 $0x200, s23  }
0xcb: {  	v17 =	vld [tilespmem:s22+$0x70]  }
0xcc: {  	v18 =	vld [tilespmem:s22+$0x0]  }
0xcd: {  	v19 =	vld [tilespmem:s22+$0x10]  }
0xce: {  	v20 =	vld [tilespmem:s22+$0x20]  }
0xcf: {  	v21 =	vld [tilespmem:s22+$0x30]  }
0xd0: {  	v22 =	vld [tilespmem:s22+$0x40]  }
0xd1: {  	v23 =	vld [tilespmem:s22+$0x50]  }
0xd2: {  	v24 =	vld [tilespmem:s22+$0x60];
	_ =	swait.ge [sflag:s16], $0x8000  }
0xd3: {  	[sflag:s16] =	ssyncset.done $0x0  }
0xd4: {  	s24 =	simm.s32 $0x0;
	[sflag:s16] =	ssyncadd.s32 $0xFFFF8000  }
0xd5: {  	v4 =	vadd.f32 v12, v4;
	v5 =	vadd.f32 v13, v5;
	v12 =	vld [tilespmem:s24+$0x8070]  }
0xd6: {  	v6 =	vadd.f32 v14, v6;
	v15 =	vadd.f32 v15, v7;
	v25 =	vld [tilespmem:s24+$0x8000]  }
0xd7: {  	v26 =	vld [tilespmem:s24+$0x8010];
	v16 =	vadd.f32 v16, v8;
	v17 =	vadd.f32 v17, v9  }
0xd8: {  	v14 =	vld [tilespmem:s24+$0x8020];
	v18 =	vadd.f32 v18, v10;
	v19 =	vadd.f32 v19, v11  }
0xd9: {  	v13 =	vld [tilespmem:s24+$0x8030];
	v9 =	vadd.f32 v20, v4;
	v8 =	vadd.f32 v21, v5  }
0xda: {  	v7 =	vadd.f32 v22, v6;
	v6 =	vadd.f32 v23, v15;
	v10 =	vld [tilespmem:s24+$0x8040]  }
0xdb: {  	v11 =	vld [tilespmem:s24+$0x8050];
	v5 =	vadd.f32 v24, v16;
	v4 =	vadd.f32 v12, v17  }
0xdc: {  	s22 =	simm.s32 $0x80;
	s23 =	simm.s32 $0x400;
	v15 =	vadd.f32 v25, v18;
	v16 =	vadd.f32 v26, v19;
	v12 =	vld [tilespmem:s24+$0x8060]  }
.LBB2_16:
0xdd: {  	p1 =	sne.s32 s23, $0x1FE00;
	v17 =	vld [tilespmem:s22+$0x8070];
	v9 =	vadd.f32 v14, v9  }
0xde: {  	v18 =	vld [tilespmem:s22+$0x8000];
	v8 =	vadd.f32 v13, v8  }
0xdf: {  	v19 =	vld [tilespmem:s22+$0x8010];
	v7 =	vadd.f32 v10, v7  }
.Ltmp9:
0xe0: {  	v14 =	vld [tilespmem:s22+$0x8020];
	v6 =	vadd.f32 v11, v6;
	(pc) =	sbr.rel @p1 .LBB2_16-.Ltmp9, $4  }
0xe1: {  	v13 =	vld [tilespmem:s22+$0x8030];
	v5 =	vadd.f32 v12, v5  }
0xe2: {  	v10 =	vld [tilespmem:s22+$0x8040];
	v4 =	vadd.f32 v17, v4  }
0xe3: {  	v15 =	vadd.f32 v18, v15;
	v11 =	vld [tilespmem:s22+$0x8050]  }
0xe4: {  	v16 =	vadd.f32 v19, v16;
	v12 =	vld [tilespmem:s22+$0x8060];
	s22 =	sshra.s32 s23, $0x2;
	s23 =	sadd.s32 $0x200, s23  }
0xe5: {  	v17 =	vld [tilespmem:s22+$0x8000]  }
0xe6: {  	v18 =	vld [tilespmem:s22+$0x8010];
	_ =	sdelay $0x1  }
0xe7: {  	v19 =	vld [tilespmem:s22+$0x8020];
	_ =	sdelay $0x1  }
0xe8: {  	v9 =	vadd.f32 v14, v9;
	v59 =	vld [tilespmem:s22+$0x8030]  }
0xe9: {  	v15 =	vadd.f32 v17, v15;
	v16 =	vadd.f32 v18, v16  }
0xea: {  	v60 =	vld [tilespmem:s22+$0x8040];
	v8 =	vadd.f32 v13, v8  }
0xeb: {  	v9 =	vadd.f32 v19, v9;
	v15 =	vadd.f32 v16, v15  }
0xec: {  	v61 =	vld [tilespmem:s22+$0x8050];
	v7 =	vadd.f32 v10, v7  }
0xed: {  	v8 =	vadd.f32 v59, v8;
	v9 =	vadd.f32 v9, v15  }
0xee: {  	v62 =	vld [tilespmem:s22+$0x8060];
	v6 =	vadd.f32 v11, v6  }
0xef: {  	v7 =	vadd.f32 v60, v7;
	v8 =	vadd.f32 v8, v9  }
0xf0: {  	v63 =	vld [tilespmem:s22+$0x8070];
	v5 =	vadd.f32 v12, v5  }
0xf1: {  	v6 =	vadd.f32 v61, v6;
	v7 =	vadd.f32 v7, v8;
	_ =	sdelay $0x1  }
0xf2: {  	v5 =	vadd.f32 v62, v5;
	v6 =	vadd.f32 v6, v7;
	_ =	sdelay $0x1  }
0xf3: {  	v4 =	vadd.f32 v63, v4;
	v5 =	vadd.f32 v5, v6;
	_ =	sdelay $0x1  }
0xf4: {  	v4 =	vadd.f32 v4, v5;
	_ =	sdelay $0x1  }
0xf5: {  	[tilespmem:$0x10000] =	vst v4  }
0xf6: {  	[spmem:s11] =	stream.linear.scatter [tilespmem:s17], [sflag:$0x3], $0x10, $0x38;
	[tilespmem:$0x10210] =	vst v63  }
.Ltmp10:
0xf7: {  	_ =	swait.ge [sflag:s18], $0x10;
	(pc) =	sbr.rel @p0 .LBB2_19-.Ltmp10, $3  }
0xf8: {  	[sflag:s18] =	ssyncset.done $0x0  }
0xf9: {  	[sflag:s18] =	ssyncadd.s32 $0xFFFFFFF0  }
0xfa: {  	[bflag:$0x0] =	sbarrier.arrive $0xFFFF;
	_ =	sdelay $0x1  }
0xfb: {  	[tilespmem:s19], [sflag:$0x3] =	stream.linear.gather [spmem:s1], $0x100, $0x38;
	[tilespmem:$0x10210] =	vst v63  }
0xfc: {  	_ =	swait.ge [sflag:s18], $0x100  }
0xfd: {  	[sflag:s18] =	ssyncset.done $0x0  }
0xfe: {  	[sflag:s18] =	ssyncadd.s32 $0xFFFFFF00  }
0xff: {  	v4 =	vld [tilespmem:$0x10080]  }
0x100: {  	v5 =	vld [tilespmem:$0x10090]  }
0x101: {  	v6 =	vld [tilespmem:$0x100A0]  }
0x102: {  	v7 =	vld [tilespmem:$0x100B0]  }
0x103: {  	v8 =	vld [tilespmem:$0x100C0]  }
0x104: {  	v9 =	vld [tilespmem:$0x100D0]  }
0x105: {  	v10 =	vld [tilespmem:$0x100E0]  }
0x106: {  	v11 =	vld [tilespmem:$0x100F0]  }
0x107: {  	v12 =	vld [tilespmem:$0x10100]  }
0x108: {  	v13 =	vld [tilespmem:$0x10110]  }
0x109: {  	v14 =	vld [tilespmem:$0x10140]  }
0x10a: {  	v15 =	vld [tilespmem:$0x10150]  }
0x10b: {  	v16 =	vld [tilespmem:$0x10120]  }
0x10c: {  	v4 =	vadd.f32 v5, v4;
	v5 =	vld [tilespmem:$0x10160]  }
0x10d: {  	v43 =	vld [tilespmem:$0x10130];
	v8 =	vadd.f32 v9, v8  }
0x10e: {  	v45 =	vld [tilespmem:$0x10170];
	v44 =	vadd.f32 v13, v12;
	v4 =	vadd.f32 v6, v4  }
0x10f: {  	v46 =	vadd.f32 v15, v14;
	v8 =	vadd.f32 v10, v8  }
0x110: {  	v6 =	vadd.f32 v16, v44;
	v4 =	vadd.f32 v7, v4  }
0x111: {  	v47 =	vadd.f32 v11, v8;
	v5 =	vadd.f32 v5, v46  }
0x112: {  	v6 =	vadd.f32 v43, v6;
	v48 =	vperm.xlane v4, v0  }
0x113: {  	v49 =	vperm.xlane v47, v0;
	v5 =	vadd.f32 v45, v5  }
0x114: {  	v50 =	vperm.xlane v6, v0;
	v4 =	vadd.f32 v48, v4  }
0x115: {  	v7 =	vadd.f32 v49, v47;
	v51 =	vperm.xlane v5, v0  }
0x116: {  	v6 =	vadd.f32 v50, v6;
	v52 =	vperm.xlane v4, v1  }
0x117: {  	v53 =	vperm.xlane v7, v1;
	v5 =	vadd.f32 v51, v5  }
0x118: {  	v54 =	vperm.xlane v6, v1;
	v4 =	vadd.f32 v52, v4  }
0x119: {  	v7 =	vadd.f32 v53, v7;
	v55 =	vperm.xlane v5, v1  }
0x11a: {  	v6 =	vadd.f32 v54, v6;
	v56 =	vperm.xlane v4, v2  }
0x11b: {  	v57 =	vperm.xlane v7, v2;
	v5 =	vadd.f32 v55, v5  }
0x11c: {  	v58 =	vperm.xlane v6, v2;
	v4 =	vadd.f32 v56, v4  }
0x11d: {  	v7 =	vadd.f32 v57, v7;
	v59 =	vperm.xlane v5, v2  }
0x11e: {  	v6 =	vadd.f32 v58, v6;
	v60 =	vperm.xlane v4, v3  }
0x11f: {  	v61 =	vperm.xlane v7, v3;
	v5 =	vadd.f32 v59, v5  }
0x120: {  	v62 =	vperm.xlane v6, v3;
	v4 =	vadd.f32 v60, v4  }
0x121: {  	v7 =	vadd.f32 v61, v7;
	v63 =	vperm.xlane v5, v3  }
0x122: {  	v6 =	vadd.f32 v62, v6;
	v4 =	vnsel vm0, $0x0, v4  }
0x123: {  	v4 =	vsel vm1, v4, v7;
	v5 =	vadd.f32 v63, v5  }
0x124: {  	v4 =	vsel vm2, v4, v6  }
0x125: {  	v4 =	vsel vm3, v4, v5  }
0x126: {  	v4 =	vmul.f32 $9.536743160e-07, v4;
	_ =	sdelay $0x1  }
.Ltmp11:
0x127: {  	[tilespmem:$0x10180] =	vst v4;
	(pc) =	sbr.rel .LBB2_19-.Ltmp11, $4  }
0x128: {  	[hbm4b:s12+s0] =	stream.linear.scatter [tilespmem:s20], [sflag:$0x3], $0x80, $0x38;
	[tilespmem:$0x10210] =	vst v63  }
0x129: {  	_ =	swait.ge [sflag:s18], $0x80  }
0x12a: {  	[sflag:s18] =	ssyncset.done $0x0  }
0x12b: {  	[sflag:s18] =	ssyncadd.s32 $0xFFFFFF80  }
.LBB2_20:
0x12c: {  	_ =	sfence.sel $0x180000  }
0x12d: {  	[bflag:$0x0] =	sbarrier.arrive $0xFFFF  }
0x12e: {  	_ =	strace $0x90000047  }
0x12f: {  	s0 =	sadd.s32 @!p0 $0x100000, s2;
	[bflag:$0x2] =	sbarrier.arrive $0xFFFF  }
0x130: {  	[sflag:s0] =	ssyncadd.tile.s32 @!p0 $0x1;
	_ =	shalt  }
.Lfunc_end2:
_tile_overlayer_lowered:
.L_overlay_start_2:
0x131: {  	(tag) =	ssettag $0x2  }
0x132: {  	s0 =	rddreg [dreg:$0x0];
	s2 =	stileid.u32  }
0x133: {  	s1 =	rddreg [dreg:$0x1];
	p0 =	sne.s32 s2, $0x0  }
0x134: {  	s3 =	rddreg [dreg:$0x2];
	[bflag:$0x3] =	sbarrier.arrive $0xFFFF;
	s2 =	simm.s32 @!p0 $0x1C03  }
0x135: {  	[timem:s3], [sflag:s2] =	dma.local @!p0 [hbm:s0], s1  }
0x136: {  	s0 =	simm.s32 @!p0 $0x3  }
0x137: {  	_ =	swait.ge @!p0 [sflag:s0], s1  }
0x138: {  	s1 =	ssub.s32 @!p0 $0x0, s1;
	[sflag:s0] =	ssyncset.done @!p0 $0x0  }
0x139: {  	[sflag:s0] =	ssyncadd.s32 @!p0 s1  }
0x13a: {  	[bflag:$0x3] =	sbarrier.arrive $0xFFFF  }
0x13b: {  	_ =	shalt  }

</sc_bundles>
